<compile_context>
chip_gen: v7x
topology: tpu7x:2x2x1
jax: 0.10.2.dev20260603
libtpu: 0.0.44.dev20260713+nightly
codegen_flags: <defaults>
</compile_context>

<pallas_src>
import jax
import jax.numpy as jnp
from jax import lax
from jax.experimental import pallas as pl
from jax.experimental.pallas import tpu as pltpu
from jax.experimental.pallas import tpu_sc as plsc

V = 50000
D = 128
HH = 128
G4 = 4 * HH
B = 8
L = 512
K = 10
START = 8
STOP = 9

NW = 32
TOT = 2 * B * L
ROWS_PER_W = TOT // NW
IDX_ROWS = TOT // 128


def _sc_gather_body(table, idx, out, idx_v, rows_v, sem):
    wid = lax.axis_index("s") * 2 + lax.axis_index("c")
    pltpu.sync_copy(idx.at[pl.ds(wid * 2, 2)], idx_v)
    pltpu.async_copy(table.at[idx_v.at[0]], rows_v.at[pl.ds(0, 128)], sem).wait()
    pltpu.async_copy(table.at[idx_v.at[1]], rows_v.at[pl.ds(128, 128)], sem).wait()
    pltpu.sync_copy(rows_v, out.at[pl.ds(wid * ROWS_PER_W, ROWS_PER_W)])


def _sc_gather(table, idx2d):
    call = pl.kernel(
        _sc_gather_body,
        out_type=jax.ShapeDtypeStruct((TOT, D), jnp.float32),
        mesh=plsc.VectorSubcoreMesh(core_axis_name="c", subcore_axis_name="s"),
        scratch_types=[
            pltpu.VMEM((2, 128), jnp.int32),
            pltpu.VMEM((ROWS_PER_W, D), jnp.float32),
            pltpu.SemaphoreType.DMA,
        ],
    )
    return call(table, idx2d)


def _tc_body(emb_ref, wihf_ref, wihb_ref, whhfT_ref, whhbT_ref,
             bihf_ref, bhhf_ref, bihb_ref, bhhb_ref,
             wout_ref, bout_ref, trans_ref, len16_ref,
             len8T_ref, lens_ref, h0_ref, c0_ref,
             scores_ref, paths_ref,
             pf_ref, pb_ref, outf_ref, outb_ref, feats_ref, bptrs_ref,
             pathsT_ref):
    dnT = (((1,), (1,)), ((), ()))
    biasf = (bihf_ref[...] + bhhf_ref[...]).reshape(1, G4)
    biasb = (bihb_ref[...] + bhhb_ref[...]).reshape(1, G4)
    wihf = wihf_ref[...]
    wihb = wihb_ref[...]
    for cchunk in range(4):
        r0 = cchunk * 1024
        t0 = cchunk * 128
        pf = lax.dot_general(emb_ref[r0:r0 + 1024, :], wihf, dnT,
                             preferred_element_type=jnp.float32) + biasf
        pf_ref[t0:t0 + 128] = pf.reshape(128, B, G4)
        pb = lax.dot_general(emb_ref[B * L + r0:B * L + r0 + 1024, :], wihb,
                             dnT, preferred_element_type=jnp.float32) + biasb
        pb_ref[t0:t0 + 128] = pb.reshape(128, B, G4)

    whf = whhfT_ref[...]
    whb = whhbT_ref[...]
    len16 = len16_ref[...]
    lens = [lens_ref[b] for b in range(B)]

    def lstm_step(s, carry):
        h, c = carry
        gf = pf_ref[s] + jnp.dot(h[0:B], whf,
                                 preferred_element_type=jnp.float32)
        gb = pb_ref[s] + jnp.dot(h[B:2 * B], whb,
                                 preferred_element_type=jnp.float32)
        g = jnp.concatenate([gf, gb], axis=0)
        i_g = jax.nn.sigmoid(g[:, 0:HH])
        f_g = jax.nn.sigmoid(g[:, HH:2 * HH])
        g_g = jnp.tanh(g[:, 2 * HH:3 * HH])
        o_g = jax.nn.sigmoid(g[:, 3 * HH:4 * HH])
        c_new = f_g * c + i_g * g_g
        h_new = o_g * jnp.tanh(c_new)
        m = s < len16
        h2 = jnp.where(m, h_new, h)
        c2 = jnp.where(m, c_new, c)
        outrow = jnp.where(m, h_new, 0.0)
        outf_ref[pl.ds(s, 1)] = outrow[0:B][None]
        for b in range(B):
            lb = lens[b]
            tgt = jnp.where(s < lb, lb - 1 - s, s)
            outb_ref[pl.ds(tgt, 1), pl.ds(b, 1)] = outrow[B + b:B + b + 1, :][None]
        return h2, c2

    h0c = jnp.concatenate([h0_ref[0], h0_ref[1]], axis=0)
    c0c = jnp.concatenate([c0_ref[0], c0_ref[1]], axis=0)
    lax.fori_loop(0, L, lstm_step, (h0c, c0c), unroll=4)

    wof = wout_ref[:, 0:HH]
    wob = wout_ref[:, HH:2 * HH]
    bout = bout_ref[...].reshape(1, K)
    for cchunk in range(4):
        t0 = cchunk * 128
        of = outf_ref[pl.ds(t0, 128)].reshape(1024, HH)
        ob = outb_ref[pl.ds(t0, 128)].reshape(1024, HH)
        fe = (lax.dot_general(of, wof, dnT,
                              preferred_element_type=jnp.float32) +
              lax.dot_general(ob, wob, dnT,
                              preferred_element_type=jnp.float32)) + bout
        feats_ref[t0:t0 + 128] = jnp.swapaxes(fe.reshape(128, B, K), 1, 2)

    trans = trans_ref[...]
    len8T = len8T_ref[...]
    iota_kT = lax.broadcasted_iota(jnp.int32, (K, B), 0)
    fv0T = jnp.where(iota_kT == START, 0.0, -10000.0)
    tcols = [jnp.broadcast_to(trans_ref[:, p:p + 1], (K, B)) for p in range(K)]
    shl8 = lax.broadcasted_iota(jnp.int32, (8, B), 0) * 4
    idx_consts = [jnp.full((K, B), p, jnp.int32) for p in range(K)]

    def vstep(t, fvT):
        vals = [jnp.broadcast_to(fvT[p:p + 1, :], (K, B)) + tcols[p]
                for p in range(K)]
        idxs = list(idx_consts)
        while len(vals) > 1:
            nv, ni = [], []
            for a in range(0, len(vals) - 1, 2):
                cond = vals[a] >= vals[a + 1]
                nv.append(jnp.where(cond, vals[a], vals[a + 1]))
                ni.append(jnp.where(cond, idxs[a], idxs[a + 1]))
            if len(vals) % 2:
                nv.append(vals[-1])
                ni.append(idxs[-1])
            vals, idxs = nv, ni
        vmaxT, bptrT = vals[0], idxs[0]
        lo = jnp.sum(lax.shift_left(bptrT[0:8], shl8), axis=0, keepdims=True)
        hi = bptrT[8:9] | lax.shift_left(bptrT[9:10], 4)
        bptrs_ref[pl.ds(t, 1)] = jnp.concatenate([lo, hi], axis=0)[None]
        fv_new = vmaxT + feats_ref[t]
        return jnp.where(t < len8T, fv_new, fvT)

    fvT = lax.fori_loop(0, L, vstep, fv0T, unroll=2)
    fv = jnp.swapaxes(fvT, 0, 1)
    iota_k = lax.broadcasted_iota(jnp.int32, (B, K), 1)
    terminal = fv + trans[STOP:STOP + 1, :]
    smax = jnp.max(terminal, axis=1, keepdims=True)
    best = jnp.min(jnp.where(terminal == smax, iota_k, K), axis=1,
                   keepdims=True).astype(jnp.int32)
    scores_ref[...] = smax

    bestT = jnp.reshape(best, (1, B))

    def btstep(r, curT):
        t = L - 1 - r
        pk = bptrs_ref[t]
        curT = jnp.where(t == len8T - 1, bestT, curT)
        active = t < len8T
        pathsT_ref[pl.ds(t, 1)] = jnp.where(active, curT, -1)[None]
        islo = curT < 8
        word = jnp.where(islo, pk[0:1], pk[1:2])
        d4 = jnp.where(islo, curT, curT - 8) * 4
        prevT = lax.shift_right_logical(word, d4) & 15
        return jnp.where(active, prevT, curT)

    lax.fori_loop(0, L, btstep, jnp.zeros((1, B), jnp.int32), unroll=2)
    for c in range(4):
        chunk = pathsT_ref[pl.ds(c * 128, 128)]
        paths_ref[:, c * 128:(c + 1) * 128] = \
            jnp.swapaxes(chunk, 0, 2).reshape(B, 128)
    


_TC_OUT_SHAPES = [jax.ShapeDtypeStruct((B, 1), jnp.float32),
                  jax.ShapeDtypeStruct((B, L), jnp.int32)]
_TC_IN_SPECS = [pl.BlockSpec(memory_space=pltpu.VMEM)] * 14 + \
               [pl.BlockSpec(memory_space=pltpu.SMEM)] + \
               [pl.BlockSpec(memory_space=pltpu.VMEM)] * 2
_TC_SCRATCH = [
    pltpu.VMEM((L, B, G4), jnp.float32),
    pltpu.VMEM((L, B, G4), jnp.float32),
    pltpu.VMEM((L, B, HH), jnp.float32),
    pltpu.VMEM((L, B, HH), jnp.float32),
    pltpu.VMEM((L, K, B), jnp.float32),
    pltpu.VMEM((L, 2, B), jnp.int32),
    pltpu.VMEM((L, 1, B), jnp.int32),
]

_tc_call = pl.pallas_call(
    _tc_body,
    out_shape=_TC_OUT_SHAPES,
    in_specs=_TC_IN_SPECS,
    out_specs=[pl.BlockSpec(memory_space=pltpu.VMEM)] * 2,
    scratch_shapes=_TC_SCRATCH,
)


def _prep_tc_inputs(sentences, lengths, Wih_f, Whh_f, bih_f, bhh_f,
                    Wih_b, Whh_b, bih_b, bhh_b, W_out, b_out, transitions,
                    h0, c0):
    lengths = lengths.astype(jnp.int32)
    len16 = jnp.concatenate([lengths, lengths])[:, None]
    len8T = lengths[None, :]
    return (Wih_f, Wih_b, Whh_f.T, Whh_b.T, bih_f, bhh_f, bih_b, bhh_b,
            W_out, b_out, transitions, len16, len8T, lengths, h0, c0)


def _gather_indices(sentences, lengths):
    lengths = lengths.astype(jnp.int32)
    t_ar = jnp.arange(L, dtype=jnp.int32)[None]
    idx_rev = jnp.where(t_ar < lengths[:, None], lengths[:, None] - 1 - t_ar,
                        t_ar)
    sent_rev = jnp.take_along_axis(sentences, idx_rev, axis=1)
    return jnp.concatenate([sentences.T.reshape(-1),
                            sent_rev.T.reshape(-1)]).reshape(IDX_ROWS, 128)


def kernel(sentences, lengths, W_emb, Wih_f, Whh_f, bih_f, bhh_f,
           Wih_b, Whh_b, bih_b, bhh_b, W_out, b_out, transitions, h0, c0):
    idx_all = _gather_indices(sentences, lengths)
    emb = _sc_gather(W_emb, idx_all)
    tc_in = _prep_tc_inputs(sentences, lengths, Wih_f, Whh_f, bih_f, bhh_f,
                            Wih_b, Whh_b, bih_b, bhh_b, W_out, b_out,
                            transitions, h0, c0)
    scores2, paths = _tc_call(emb, *tc_in)
    return scores2[:, 0], paths

# --- scband reference (transcript-rebuilt; emitter-appended) ---
"""Pipeline reference for scband-bi-lstm-crf-58428735094824 (READ-ONLY COPY).

The authoritative reference and input builder live on the scoring server;
editing this copy changes nothing except your own understanding.
"""

import jax, jax.numpy as jnp
import numpy as np

V = 50000; D = 128; HD = 256; HH = 128; B = 8; L = 512; K = 10; START = 8; STOP = 9


def setup_inputs(seed: int = 0):
    key = jax.random.key(seed)
    ks = jax.random.split(key, 18)
    sentences = jax.random.randint(ks[0], (B, L), 0, V, dtype=jnp.int32)
    lengths = jnp.sort(jax.random.randint(ks[1], (B,), 1, L + 1, dtype=jnp.int32))[::-1]
    W_emb = jax.random.normal(ks[2], (V, D), dtype=jnp.float32) * 0.02
    Wih_f = jax.random.normal(ks[3], (4 * HH, D), dtype=jnp.float32) * 0.05
    Whh_f = jax.random.normal(ks[4], (4 * HH, HH), dtype=jnp.float32) * 0.05
    bih_f = jnp.zeros((4 * HH,), jnp.float32)
    bhh_f = jnp.zeros((4 * HH,), jnp.float32)
    Wih_b = jax.random.normal(ks[5], (4 * HH, D), dtype=jnp.float32) * 0.05
    Whh_b = jax.random.normal(ks[6], (4 * HH, HH), dtype=jnp.float32) * 0.05
    bih_b = jnp.zeros((4 * HH,), jnp.float32)
    bhh_b = jnp.zeros((4 * HH,), jnp.float32)
    W_out = jax.random.normal(ks[7], (K, HD), dtype=jnp.float32) * 0.05
    b_out = jnp.zeros((K,), jnp.float32)
    transitions = jax.random.normal(ks[8], (K, K), dtype=jnp.float32)
    transitions = transitions.at[START, :].set(-10000.0).at[:, STOP].set(-10000.0)
    h0 = jax.random.normal(ks[9], (2, B, HH), dtype=jnp.float32)
    c0 = jax.random.normal(ks[10], (2, B, HH), dtype=jnp.float32)
    return {"sentences": sentences, "lengths": lengths, "W_emb": W_emb,
            "Wih_f": Wih_f, "Whh_f": Whh_f, "bih_f": bih_f, "bhh_f": bhh_f,
            "Wih_b": Wih_b, "Whh_b": Whh_b, "bih_b": bih_b, "bhh_b": bhh_b,
            "W_out": W_out, "b_out": b_out, "transitions": transitions,
            "h0": h0, "c0": c0}


def _lstm(x, h0, c0, Wih, Whh, bih, bhh, lengths):
    Lc = x.shape[1]
    def step(carry, inp):
        h, c = carry
        xt, t = inp
        gates = xt @ Wih.T + bih + h @ Whh.T + bhh
        i, f, g, o = jnp.split(gates, 4, axis=-1)
        i = jax.nn.sigmoid(i); f = jax.nn.sigmoid(f)
        g = jnp.tanh(g); o = jax.nn.sigmoid(o)
        c_new = f * c + i * g
        h_new = o * jnp.tanh(c_new)
        m = (t < lengths)[:, None]
        h2 = jnp.where(m, h_new, h)
        c2 = jnp.where(m, c_new, c)
        out = jnp.where(m, h_new, 0.0)
        return (h2, c2), out
    (_, _), outs = jax.lax.scan(step, (h0, c0), (jnp.swapaxes(x, 0, 1), jnp.arange(Lc)))
    return jnp.swapaxes(outs, 0, 1)


def _reverse_valid(x, lengths):
    Lc = x.shape[1]
    t = jnp.arange(Lc)[None, :]
    idx = jnp.where(t < lengths[:, None], lengths[:, None] - 1 - t, t)
    return jnp.take_along_axis(x, idx[:, :, None], axis=1)


def reference(sentences, lengths, W_emb, Wih_f, Whh_f, bih_f, bhh_f,
              Wih_b, Whh_b, bih_b, bhh_b, W_out, b_out, transitions, h0, c0):
    embeds = jnp.take(W_emb, sentences, axis=0)  # [B, L, D]
    out_f = _lstm(embeds, h0[0], c0[0], Wih_f, Whh_f, bih_f, bhh_f, lengths)
    x_rev = _reverse_valid(embeds, lengths)
    out_b_rev = _lstm(x_rev, h0[1], c0[1], Wih_b, Whh_b, bih_b, bhh_b, lengths)
    out_b = _reverse_valid(out_b_rev, lengths)
    lstm_out = jnp.concatenate([out_f, out_b], axis=-1)  # [B, L, HD]
    feats = lstm_out @ W_out.T + b_out  # [B, L, K]

    fv0 = jnp.full((B, K), -10000.0, jnp.float32).at[:, START].set(0.0)
    def vstep(fv, inp):
        feat_t, t = inp
        ntv = fv[:, None, :] + transitions[None, :, :]  # [B, next, prev]
        bptr = jnp.argmax(ntv, axis=2).astype(jnp.int32)
        vmax = jnp.max(ntv, axis=2)
        fv_new = vmax + feat_t
        m = (t < lengths)[:, None]
        return jnp.where(m, fv_new, fv), bptr
    fv, bptrs = jax.lax.scan(vstep, fv0, (jnp.swapaxes(feats, 0, 1), jnp.arange(L)))
    terminal = fv + transitions[STOP][None, :]
    best_tag = jnp.argmax(terminal, axis=1).astype(jnp.int32)
    scores = jnp.max(terminal, axis=1)

    def btstep(cur, inp):
        bptr_t, t = inp
        cur = jnp.where(t == lengths - 1, best_tag, cur)
        active = t < lengths
        out = jnp.where(active, cur, -1)
        prev = jnp.take_along_axis(bptr_t, cur[:, None], axis=1)[:, 0]
        cur2 = jnp.where(active, prev, cur)
        return cur2, out
    _, path_rev = jax.lax.scan(btstep, jnp.zeros((B,), jnp.int32),
                               (bptrs[::-1], jnp.arange(L)[::-1]))
    paths = jnp.swapaxes(path_rev[::-1], 0, 1)  # [B, L], -1 padding
    return scores, paths

if __name__ == "__main__":
    import jax
    _d = setup_inputs()
    print(jax.jit(kernel)(*tuple(_d.values())))

</pallas_src>

<mosaic_0001>
#map = affine_map<(d0, d1) -> (0, 0)>
module attributes {stable_mosaic.version = 14 : i64} {
  func.func @_sc_gather_body(%arg0: i32, %arg1: i32, %arg2: memref<50000x128xf32, #tpu.memory_space<hbm>>, %arg3: memref<64x128xi32, #tpu.memory_space<hbm>>, %arg4: memref<8192x128xf32, #tpu.memory_space<hbm>>, %arg5: memref<2x128xi32, #tpu.memory_space<vmem>>, %arg6: memref<256x128xf32, #tpu.memory_space<vmem>>, %arg7: memref<!tpu.dma_semaphore, #tpu.memory_space<semaphore_mem>>) attributes {dimension_semantics = [#tpu.dimension_semantics<core_parallel>, #tpu.dimension_semantics<subcore_parallel>], iteration_bounds = array<i64: 2, 16>, scalar_prefetch = 0 : i64, scratch_operands = 3 : i64, tpu.core_type = #tpu.core_type<sc_vector_subcore>, window_params = [{transform_indices = #map}, {transform_indices = #map}, {transform_indices = #map}]} {
    %mul3A = arith.constant 2 : i32
    %mul3A_0 = arith.muli %arg1, %mul3A : i32
    %add3A = arith.addi %mul3A_0, %arg0 : i32
    %mul3A_1 = arith.constant 2 : i32
    %mul3A_2 = arith.muli %add3A, %mul3A_1 : i32
    "tpu.region"() ({
      %run_scoped3A = tpu.sem_alloc : memref<!tpu.dma_semaphore, #tpu.memory_space<semaphore_mem>>
      %dma_start3A_43 = arith.constant 0 : i32
      %dma_start3A_44 = tpu.memref_slice %arg3[%mul3A_2, %dma_start3A_43] : memref<64x128xi32, #tpu.memory_space<hbm>> -> memref<2x128xi32, #tpu.memory_space<hbm>>
      %dma_start3A_45 = arith.constant 0 : i32
      %dma_start3A_46 = tpu.memref_slice %arg3[%mul3A_2, %dma_start3A_45] : memref<64x128xi32, #tpu.memory_space<hbm>> -> memref<2x128xi32, #tpu.memory_space<hbm>>
      tpu.enqueue_dma source(%dma_start3A_46 : memref<2x128xi32, #tpu.memory_space<hbm>>) target(%arg5 : memref<2x128xi32, #tpu.memory_space<vmem>>) target_semaphore(%run_scoped3A : memref<!tpu.dma_semaphore, #tpu.memory_space<semaphore_mem>>)
      %dma_wait3A_47 = arith.constant 0 : i32
      %dma_wait3A_48 = tpu.memref_slice %arg3[%mul3A_2, %dma_wait3A_47] : memref<64x128xi32, #tpu.memory_space<hbm>> -> memref<2x128xi32, #tpu.memory_space<hbm>>
      %dma_wait3A_49 = arith.constant 0 : i32
      %dma_wait3A_50 = tpu.memref_slice %arg3[%mul3A_2, %dma_wait3A_49] : memref<64x128xi32, #tpu.memory_space<hbm>> -> memref<2x128xi32, #tpu.memory_space<hbm>>
      tpu.wait_dma2 semaphore(%run_scoped3A : memref<!tpu.dma_semaphore, #tpu.memory_space<semaphore_mem>>) src(%dma_wait3A_50 : memref<2x128xi32, #tpu.memory_space<hbm>>) dst(%arg5 : memref<2x128xi32, #tpu.memory_space<vmem>>)
      tpu.yield
    }) : () -> ()
    %dma_start3A = arith.constant 0 : i32
    %dma_start3A_3 = arith.constant 0 : i32
    %dma_start3A_4 = arith.constant 0 : i32
    %dma_start3A_5 = tpu.memref_slice %arg6[%dma_start3A_3, %dma_start3A_4] : memref<256x128xf32, #tpu.memory_space<vmem>> -> memref<128x128xf32, #tpu.memory_space<vmem>>
    %dma_start3A_6 = arith.constant 0 : i32
    %dma_start3A_7 = tpu.memref_slice %arg5[%dma_start3A, %dma_start3A_6] : memref<2x128xi32, #tpu.memory_space<vmem>> -> memref<1x128xi32, #tpu.memory_space<vmem>>
    %dma_start3A_8 = tpu.memref_squeeze %dma_start3A_7 : memref<1x128xi32, #tpu.memory_space<vmem>> -> memref<128xi32, #tpu.memory_space<vmem>>
    %dma_start3A_9 = arith.constant 0 : i32
    %dma_start3A_10 = arith.constant 0 : i32
    %dma_start3A_11 = tpu.memref_slice %arg2[%dma_start3A_9, %dma_start3A_10] : memref<50000x128xf32, #tpu.memory_space<hbm>> -> memref<50000x128xf32, #tpu.memory_space<hbm>>
    tpu.enqueue_indirect_dma source(%dma_start3A_11 : memref<50000x128xf32, #tpu.memory_space<hbm>>) target(%dma_start3A_5 : memref<128x128xf32, #tpu.memory_space<vmem>>) offsets(%dma_start3A_8 : memref<128xi32, #tpu.memory_space<vmem>>) semaphore(%arg7 : memref<!tpu.dma_semaphore, #tpu.memory_space<semaphore_mem>>)
    %dma_wait3A = arith.constant 0 : i32
    %dma_wait3A_12 = arith.constant 0 : i32
    %dma_wait3A_13 = arith.constant 0 : i32
    %dma_wait3A_14 = tpu.memref_slice %arg6[%dma_wait3A_12, %dma_wait3A_13] : memref<256x128xf32, #tpu.memory_space<vmem>> -> memref<128x128xf32, #tpu.memory_space<vmem>>
    %dma_wait3A_15 = arith.constant 0 : i32
    %dma_wait3A_16 = tpu.memref_slice %arg5[%dma_wait3A, %dma_wait3A_15] : memref<2x128xi32, #tpu.memory_space<vmem>> -> memref<1x128xi32, #tpu.memory_space<vmem>>
    %dma_wait3A_17 = tpu.memref_squeeze %dma_wait3A_16 : memref<1x128xi32, #tpu.memory_space<vmem>> -> memref<128xi32, #tpu.memory_space<vmem>>
    %dma_wait3A_18 = arith.constant 0 : i32
    %dma_wait3A_19 = arith.constant 0 : i32
    %dma_wait3A_20 = tpu.memref_slice %arg2[%dma_wait3A_18, %dma_wait3A_19] : memref<50000x128xf32, #tpu.memory_space<hbm>> -> memref<50000x128xf32, #tpu.memory_space<hbm>>
    tpu.wait_indirect_dma semaphore(%arg7 : memref<!tpu.dma_semaphore, #tpu.memory_space<semaphore_mem>>) src(%dma_wait3A_20 : memref<50000x128xf32, #tpu.memory_space<hbm>>) dst(%dma_wait3A_14 : memref<128x128xf32, #tpu.memory_space<vmem>>)
    %dma_start3A_21 = arith.constant 1 : i32
    %dma_start3A_22 = arith.constant 128 : i32
    %dma_start3A_23 = arith.constant 0 : i32
    %dma_start3A_24 = tpu.memref_slice %arg6[%dma_start3A_22, %dma_start3A_23] : memref<256x128xf32, #tpu.memory_space<vmem>> -> memref<128x128xf32, #tpu.memory_space<vmem>>
    %dma_start3A_25 = arith.constant 0 : i32
    %dma_start3A_26 = tpu.memref_slice %arg5[%dma_start3A_21, %dma_start3A_25] : memref<2x128xi32, #tpu.memory_space<vmem>> -> memref<1x128xi32, #tpu.memory_space<vmem>>
    %dma_start3A_27 = tpu.memref_squeeze %dma_start3A_26 : memref<1x128xi32, #tpu.memory_space<vmem>> -> memref<128xi32, #tpu.memory_space<vmem>>
    %dma_start3A_28 = arith.constant 0 : i32
    %dma_start3A_29 = arith.constant 0 : i32
    %dma_start3A_30 = tpu.memref_slice %arg2[%dma_start3A_28, %dma_start3A_29] : memref<50000x128xf32, #tpu.memory_space<hbm>> -> memref<50000x128xf32, #tpu.memory_space<hbm>>
    tpu.enqueue_indirect_dma source(%dma_start3A_30 : memref<50000x128xf32, #tpu.memory_space<hbm>>) target(%dma_start3A_24 : memref<128x128xf32, #tpu.memory_space<vmem>>) offsets(%dma_start3A_27 : memref<128xi32, #tpu.memory_space<vmem>>) semaphore(%arg7 : memref<!tpu.dma_semaphore, #tpu.memory_space<semaphore_mem>>)
    %dma_wait3A_31 = arith.constant 1 : i32
    %dma_wait3A_32 = arith.constant 128 : i32
    %dma_wait3A_33 = arith.constant 0 : i32
    %dma_wait3A_34 = tpu.memref_slice %arg6[%dma_wait3A_32, %dma_wait3A_33] : memref<256x128xf32, #tpu.memory_space<vmem>> -> memref<128x128xf32, #tpu.memory_space<vmem>>
    %dma_wait3A_35 = arith.constant 0 : i32
    %dma_wait3A_36 = tpu.memref_slice %arg5[%dma_wait3A_31, %dma_wait3A_35] : memref<2x128xi32, #tpu.memory_space<vmem>> -> memref<1x128xi32, #tpu.memory_space<vmem>>
    %dma_wait3A_37 = tpu.memref_squeeze %dma_wait3A_36 : memref<1x128xi32, #tpu.memory_space<vmem>> -> memref<128xi32, #tpu.memory_space<vmem>>
    %dma_wait3A_38 = arith.constant 0 : i32
    %dma_wait3A_39 = arith.constant 0 : i32
    %dma_wait3A_40 = tpu.memref_slice %arg2[%dma_wait3A_38, %dma_wait3A_39] : memref<50000x128xf32, #tpu.memory_space<hbm>> -> memref<50000x128xf32, #tpu.memory_space<hbm>>
    tpu.wait_indirect_dma semaphore(%arg7 : memref<!tpu.dma_semaphore, #tpu.memory_space<semaphore_mem>>) src(%dma_wait3A_40 : memref<50000x128xf32, #tpu.memory_space<hbm>>) dst(%dma_wait3A_34 : memref<128x128xf32, #tpu.memory_space<vmem>>)
    %mul3A_41 = arith.constant 256 : i32
    %mul3A_42 = arith.muli %add3A, %mul3A_41 : i32
    "tpu.region"() ({
      %run_scoped3A = tpu.sem_alloc : memref<!tpu.dma_semaphore, #tpu.memory_space<semaphore_mem>>
      %dma_start3A_43 = arith.constant 0 : i32
      %dma_start3A_44 = tpu.memref_slice %arg4[%mul3A_42, %dma_start3A_43] : memref<8192x128xf32, #tpu.memory_space<hbm>> -> memref<256x128xf32, #tpu.memory_space<hbm>>
      %dma_start3A_45 = arith.constant 0 : i32
      %dma_start3A_46 = tpu.memref_slice %arg4[%mul3A_42, %dma_start3A_45] : memref<8192x128xf32, #tpu.memory_space<hbm>> -> memref<256x128xf32, #tpu.memory_space<hbm>>
      tpu.enqueue_dma source(%arg6 : memref<256x128xf32, #tpu.memory_space<vmem>>) target(%dma_start3A_46 : memref<256x128xf32, #tpu.memory_space<hbm>>) target_semaphore(%run_scoped3A : memref<!tpu.dma_semaphore, #tpu.memory_space<semaphore_mem>>)
      %dma_wait3A_47 = arith.constant 0 : i32
      %dma_wait3A_48 = tpu.memref_slice %arg4[%mul3A_42, %dma_wait3A_47] : memref<8192x128xf32, #tpu.memory_space<hbm>> -> memref<256x128xf32, #tpu.memory_space<hbm>>
      %dma_wait3A_49 = arith.constant 0 : i32
      %dma_wait3A_50 = tpu.memref_slice %arg4[%mul3A_42, %dma_wait3A_49] : memref<8192x128xf32, #tpu.memory_space<hbm>> -> memref<256x128xf32, #tpu.memory_space<hbm>>
      tpu.wait_dma2 semaphore(%run_scoped3A : memref<!tpu.dma_semaphore, #tpu.memory_space<semaphore_mem>>) src(%arg6 : memref<256x128xf32, #tpu.memory_space<vmem>>) dst(%dma_wait3A_50 : memref<256x128xf32, #tpu.memory_space<hbm>>)
      tpu.yield
    }) : () -> ()
    return
  }
}

module attributes {stable_mosaic.version = 14 : i64} {
  func.func @_tc_body(%arg0: memref<8192x128xf32, #tpu.memory_space<vmem>>, %arg1: memref<512x128xf32, #tpu.memory_space<vmem>>, %arg2: memref<512x128xf32, #tpu.memory_space<vmem>>, %arg3: memref<128x512xf32, #tpu.memory_space<vmem>>, %arg4: memref<128x512xf32, #tpu.memory_space<vmem>>, %arg5: memref<512xf32, #tpu.memory_space<vmem>>, %arg6: memref<512xf32, #tpu.memory_space<vmem>>, %arg7: memref<512xf32, #tpu.memory_space<vmem>>, %arg8: memref<512xf32, #tpu.memory_space<vmem>>, %arg9: memref<10x256xf32, #tpu.memory_space<vmem>>, %arg10: memref<10xf32, #tpu.memory_space<vmem>>, %arg11: memref<10x10xf32, #tpu.memory_space<vmem>>, %arg12: memref<16x1xi32, #tpu.memory_space<vmem>>, %arg13: memref<1x8xi32, #tpu.memory_space<vmem>>, %arg14: memref<8xi32, #tpu.memory_space<smem>>, %arg15: memref<2x8x128xf32, #tpu.memory_space<vmem>>, %arg16: memref<2x8x128xf32, #tpu.memory_space<vmem>>, %arg17: memref<8x1xf32, #tpu.memory_space<vmem>>, %arg18: memref<8x512xi32, #tpu.memory_space<vmem>>, %arg19: memref<512x8x512xf32, #tpu.memory_space<vmem>>, %arg20: memref<512x8x512xf32, #tpu.memory_space<vmem>>, %arg21: memref<512x8x128xf32, #tpu.memory_space<vmem>>, %arg22: memref<512x8x128xf32, #tpu.memory_space<vmem>>, %arg23: memref<512x10x8xf32, #tpu.memory_space<vmem>>, %arg24: memref<512x2x8xi32, #tpu.memory_space<vmem>>, %arg25: memref<512x1x8xi32, #tpu.memory_space<vmem>>) attributes {dimension_semantics = [], scalar_prefetch = 0 : i64, scratch_operands = 7 : i64, tpu.core_type = #tpu.core_type<tc>} {
    %get3A = arith.constant 0 : index
    %get3A_0 = vector.load %arg5[%get3A] : memref<512xf32, #tpu.memory_space<vmem>>, vector<512xf32>
    %get3A_1 = arith.constant 0 : index
    %get3A_2 = vector.load %arg6[%get3A_1] : memref<512xf32, #tpu.memory_space<vmem>>, vector<512xf32>
    %add3A = arith.addf %get3A_0, %get3A_2 : vector<512xf32>
    %reshape3A = vector.shape_cast %add3A : vector<512xf32> to vector<1x512xf32>
    %get3A_3 = arith.constant 0 : index
    %get3A_4 = vector.load %arg7[%get3A_3] : memref<512xf32, #tpu.memory_space<vmem>>, vector<512xf32>
    %get3A_5 = arith.constant 0 : index
    %get3A_6 = vector.load %arg8[%get3A_5] : memref<512xf32, #tpu.memory_space<vmem>>, vector<512xf32>
    %add3A_7 = arith.addf %get3A_4, %get3A_6 : vector<512xf32>
    %reshape3A_8 = vector.shape_cast %add3A_7 : vector<512xf32> to vector<1x512xf32>
    %get3A_9 = arith.constant 0 : index
    %get3A_10 = arith.constant 0 : index
    %get3A_11 = vector.load %arg1[%get3A_9, %get3A_10] : memref<512x128xf32, #tpu.memory_space<vmem>>, vector<512x128xf32>
    %get3A_12 = arith.constant 0 : index
    %get3A_13 = arith.constant 0 : index
    %get3A_14 = vector.load %arg2[%get3A_12, %get3A_13] : memref<512x128xf32, #tpu.memory_space<vmem>>, vector<512x128xf32>
    %get3A_15 = arith.constant 0 : index
    %get3A_16 = arith.constant 0 : index
    %get3A_17 = vector.load %arg0[%get3A_15, %get3A_16] : memref<8192x128xf32, #tpu.memory_space<vmem>>, vector<1024x128xf32>
    %dot_general3A = arith.constant dense<0.000000e+00> : vector<1024x512xf32>
    %dot_general3A_18 = tpu.matmul %get3A_17, %get3A_11, %dot_general3A {dimension_numbers = #tpu.dot_dimension_numbers<[1], [1], [0], [0], [0, 0, 1, 0], [], []>, transpose_lhs_hint = false} : vector<1024x128xf32>, vector<512x128xf32>, vector<1024x512xf32> -> vector<1024x512xf32>
    %add3A_19 = vector.broadcast %reshape3A : vector<1x512xf32> to vector<1024x512xf32>
    %add3A_20 = arith.addf %dot_general3A_18, %add3A_19 : vector<1024x512xf32>
    %reshape3A_21 = vector.shape_cast %add3A_20 : vector<1024x512xf32> to vector<128x8x512xf32>
    %swap3A = arith.constant 0 : index
    %swap3A_22 = arith.constant 0 : index
    %swap3A_23 = arith.constant 0 : index
    %swap3A_24 = vector.load %arg19[%swap3A, %swap3A_22, %swap3A_23] : memref<512x8x512xf32, #tpu.memory_space<vmem>>, vector<128x8x512xf32>
    tpu.vector_store %arg19[%swap3A, %swap3A_22, %swap3A_23], %reshape3A_21 {strides = array<i32>} : memref<512x8x512xf32, #tpu.memory_space<vmem>>, vector<128x8x512xf32>,
    %get3A_25 = arith.constant 4096 : index
    %get3A_26 = arith.constant 0 : index
    %get3A_27 = vector.load %arg0[%get3A_25, %get3A_26] : memref<8192x128xf32, #tpu.memory_space<vmem>>, vector<1024x128xf32>
    %dot_general3A_28 = arith.constant dense<0.000000e+00> : vector<1024x512xf32>
    %dot_general3A_29 = tpu.matmul %get3A_27, %get3A_14, %dot_general3A_28 {dimension_numbers = #tpu.dot_dimension_numbers<[1], [1], [0], [0], [0, 0, 1, 0], [], []>, transpose_lhs_hint = false} : vector<1024x128xf32>, vector<512x128xf32>, vector<1024x512xf32> -> vector<1024x512xf32>
    %add3A_30 = vector.broadcast %reshape3A_8 : vector<1x512xf32> to vector<1024x512xf32>
    %add3A_31 = arith.addf %dot_general3A_29, %add3A_30 : vector<1024x512xf32>
    %reshape3A_32 = vector.shape_cast %add3A_31 : vector<1024x512xf32> to vector<128x8x512xf32>
    %swap3A_33 = arith.constant 0 : index
    %swap3A_34 = arith.constant 0 : index
    %swap3A_35 = arith.constant 0 : index
    %swap3A_36 = vector.load %arg20[%swap3A_33, %swap3A_34, %swap3A_35] : memref<512x8x512xf32, #tpu.memory_space<vmem>>, vector<128x8x512xf32>
    tpu.vector_store %arg20[%swap3A_33, %swap3A_34, %swap3A_35], %reshape3A_32 {strides = array<i32>} : memref<512x8x512xf32, #tpu.memory_space<vmem>>, vector<128x8x512xf32>,
    %get3A_37 = arith.constant 1024 : index
    %get3A_38 = arith.constant 0 : index
    %get3A_39 = vector.load %arg0[%get3A_37, %get3A_38] : memref<8192x128xf32, #tpu.memory_space<vmem>>, vector<1024x128xf32>
    %dot_general3A_40 = arith.constant dense<0.000000e+00> : vector<1024x512xf32>
    %dot_general3A_41 = tpu.matmul %get3A_39, %get3A_11, %dot_general3A_40 {dimension_numbers = #tpu.dot_dimension_numbers<[1], [1], [0], [0], [0, 0, 1, 0], [], []>, transpose_lhs_hint = false} : vector<1024x128xf32>, vector<512x128xf32>, vector<1024x512xf32> -> vector<1024x512xf32>
    %add3A_42 = vector.broadcast %reshape3A : vector<1x512xf32> to vector<1024x512xf32>
    %add3A_43 = arith.addf %dot_general3A_41, %add3A_42 : vector<1024x512xf32>
    %reshape3A_44 = vector.shape_cast %add3A_43 : vector<1024x512xf32> to vector<128x8x512xf32>
    %swap3A_45 = arith.constant 128 : index
    %swap3A_46 = arith.constant 0 : index
    %swap3A_47 = arith.constant 0 : index
    %swap3A_48 = vector.load %arg19[%swap3A_45, %swap3A_46, %swap3A_47] : memref<512x8x512xf32, #tpu.memory_space<vmem>>, vector<128x8x512xf32>
    tpu.vector_store %arg19[%swap3A_45, %swap3A_46, %swap3A_47], %reshape3A_44 {strides = array<i32>} : memref<512x8x512xf32, #tpu.memory_space<vmem>>, vector<128x8x512xf32>,
    %get3A_49 = arith.constant 5120 : index
    %get3A_50 = arith.constant 0 : index
    %get3A_51 = vector.load %arg0[%get3A_49, %get3A_50] : memref<8192x128xf32, #tpu.memory_space<vmem>>, vector<1024x128xf32>
    %dot_general3A_52 = arith.constant dense<0.000000e+00> : vector<1024x512xf32>
    %dot_general3A_53 = tpu.matmul %get3A_51, %get3A_14, %dot_general3A_52 {dimension_numbers = #tpu.dot_dimension_numbers<[1], [1], [0], [0], [0, 0, 1, 0], [], []>, transpose_lhs_hint = false} : vector<1024x128xf32>, vector<512x128xf32>, vector<1024x512xf32> -> vector<1024x512xf32>
    %add3A_54 = vector.broadcast %reshape3A_8 : vector<1x512xf32> to vector<1024x512xf32>
    %add3A_55 = arith.addf %dot_general3A_53, %add3A_54 : vector<1024x512xf32>
    %reshape3A_56 = vector.shape_cast %add3A_55 : vector<1024x512xf32> to vector<128x8x512xf32>
    %swap3A_57 = arith.constant 128 : index
    %swap3A_58 = arith.constant 0 : index
    %swap3A_59 = arith.constant 0 : index
    %swap3A_60 = vector.load %arg20[%swap3A_57, %swap3A_58, %swap3A_59] : memref<512x8x512xf32, #tpu.memory_space<vmem>>, vector<128x8x512xf32>
    tpu.vector_store %arg20[%swap3A_57, %swap3A_58, %swap3A_59], %reshape3A_56 {strides = array<i32>} : memref<512x8x512xf32, #tpu.memory_space<vmem>>, vector<128x8x512xf32>,
    %get3A_61 = arith.constant 2048 : index
    %get3A_62 = arith.constant 0 : index
    %get3A_63 = vector.load %arg0[%get3A_61, %get3A_62] : memref<8192x128xf32, #tpu.memory_space<vmem>>, vector<1024x128xf32>
    %dot_general3A_64 = arith.constant dense<0.000000e+00> : vector<1024x512xf32>
    %dot_general3A_65 = tpu.matmul %get3A_63, %get3A_11, %dot_general3A_64 {dimension_numbers = #tpu.dot_dimension_numbers<[1], [1], [0], [0], [0, 0, 1, 0], [], []>, transpose_lhs_hint = false} : vector<1024x128xf32>, vector<512x128xf32>, vector<1024x512xf32> -> vector<1024x512xf32>
    %add3A_66 = vector.broadcast %reshape3A : vector<1x512xf32> to vector<1024x512xf32>
    %add3A_67 = arith.addf %dot_general3A_65, %add3A_66 : vector<1024x512xf32>
    %reshape3A_68 = vector.shape_cast %add3A_67 : vector<1024x512xf32> to vector<128x8x512xf32>
    %swap3A_69 = arith.constant 256 : index
    %swap3A_70 = arith.constant 0 : index
    %swap3A_71 = arith.constant 0 : index
    %swap3A_72 = vector.load %arg19[%swap3A_69, %swap3A_70, %swap3A_71] : memref<512x8x512xf32, #tpu.memory_space<vmem>>, vector<128x8x512xf32>
    tpu.vector_store %arg19[%swap3A_69, %swap3A_70, %swap3A_71], %reshape3A_68 {strides = array<i32>} : memref<512x8x512xf32, #tpu.memory_space<vmem>>, vector<128x8x512xf32>,
    %get3A_73 = arith.constant 6144 : index
    %get3A_74 = arith.constant 0 : index
    %get3A_75 = vector.load %arg0[%get3A_73, %get3A_74] : memref<8192x128xf32, #tpu.memory_space<vmem>>, vector<1024x128xf32>
    %dot_general3A_76 = arith.constant dense<0.000000e+00> : vector<1024x512xf32>
    %dot_general3A_77 = tpu.matmul %get3A_75, %get3A_14, %dot_general3A_76 {dimension_numbers = #tpu.dot_dimension_numbers<[1], [1], [0], [0], [0, 0, 1, 0], [], []>, transpose_lhs_hint = false} : vector<1024x128xf32>, vector<512x128xf32>, vector<1024x512xf32> -> vector<1024x512xf32>
    %add3A_78 = vector.broadcast %reshape3A_8 : vector<1x512xf32> to vector<1024x512xf32>
    %add3A_79 = arith.addf %dot_general3A_77, %add3A_78 : vector<1024x512xf32>
    %reshape3A_80 = vector.shape_cast %add3A_79 : vector<1024x512xf32> to vector<128x8x512xf32>
    %swap3A_81 = arith.constant 256 : index
    %swap3A_82 = arith.constant 0 : index
    %swap3A_83 = arith.constant 0 : index
    %swap3A_84 = vector.load %arg20[%swap3A_81, %swap3A_82, %swap3A_83] : memref<512x8x512xf32, #tpu.memory_space<vmem>>, vector<128x8x512xf32>
    tpu.vector_store %arg20[%swap3A_81, %swap3A_82, %swap3A_83], %reshape3A_80 {strides = array<i32>} : memref<512x8x512xf32, #tpu.memory_space<vmem>>, vector<128x8x512xf32>,
    %get3A_85 = arith.constant 3072 : index
    %get3A_86 = arith.constant 0 : index
    %get3A_87 = vector.load %arg0[%get3A_85, %get3A_86] : memref<8192x128xf32, #tpu.memory_space<vmem>>, vector<1024x128xf32>
    %dot_general3A_88 = arith.constant dense<0.000000e+00> : vector<1024x512xf32>
    %dot_general3A_89 = tpu.matmul %get3A_87, %get3A_11, %dot_general3A_88 {dimension_numbers = #tpu.dot_dimension_numbers<[1], [1], [0], [0], [0, 0, 1, 0], [], []>, transpose_lhs_hint = false} : vector<1024x128xf32>, vector<512x128xf32>, vector<1024x512xf32> -> vector<1024x512xf32>
    %add3A_90 = vector.broadcast %reshape3A : vector<1x512xf32> to vector<1024x512xf32>
    %add3A_91 = arith.addf %dot_general3A_89, %add3A_90 : vector<1024x512xf32>
    %reshape3A_92 = vector.shape_cast %add3A_91 : vector<1024x512xf32> to vector<128x8x512xf32>
    %swap3A_93 = arith.constant 384 : index
    %swap3A_94 = arith.constant 0 : index
    %swap3A_95 = arith.constant 0 : index
    %swap3A_96 = vector.load %arg19[%swap3A_93, %swap3A_94, %swap3A_95] : memref<512x8x512xf32, #tpu.memory_space<vmem>>, vector<128x8x512xf32>
    tpu.vector_store %arg19[%swap3A_93, %swap3A_94, %swap3A_95], %reshape3A_92 {strides = array<i32>} : memref<512x8x512xf32, #tpu.memory_space<vmem>>, vector<128x8x512xf32>,
    %get3A_97 = arith.constant 7168 : index
    %get3A_98 = arith.constant 0 : index
    %get3A_99 = vector.load %arg0[%get3A_97, %get3A_98] : memref<8192x128xf32, #tpu.memory_space<vmem>>, vector<1024x128xf32>
    %dot_general3A_100 = arith.constant dense<0.000000e+00> : vector<1024x512xf32>
    %dot_general3A_101 = tpu.matmul %get3A_99, %get3A_14, %dot_general3A_100 {dimension_numbers = #tpu.dot_dimension_numbers<[1], [1], [0], [0], [0, 0, 1, 0], [], []>, transpose_lhs_hint = false} : vector<1024x128xf32>, vector<512x128xf32>, vector<1024x512xf32> -> vector<1024x512xf32>
    %add3A_102 = vector.broadcast %reshape3A_8 : vector<1x512xf32> to vector<1024x512xf32>
    %add3A_103 = arith.addf %dot_general3A_101, %add3A_102 : vector<1024x512xf32>
    %reshape3A_104 = vector.shape_cast %add3A_103 : vector<1024x512xf32> to vector<128x8x512xf32>
    %swap3A_105 = arith.constant 384 : index
    %swap3A_106 = arith.constant 0 : index
    %swap3A_107 = arith.constant 0 : index
    %swap3A_108 = vector.load %arg20[%swap3A_105, %swap3A_106, %swap3A_107] : memref<512x8x512xf32, #tpu.memory_space<vmem>>, vector<128x8x512xf32>
    tpu.vector_store %arg20[%swap3A_105, %swap3A_106, %swap3A_107], %reshape3A_104 {strides = array<i32>} : memref<512x8x512xf32, #tpu.memory_space<vmem>>, vector<128x8x512xf32>,
    %get3A_109 = arith.constant 0 : index
    %get3A_110 = arith.constant 0 : index
    %get3A_111 = vector.load %arg3[%get3A_109, %get3A_110] : memref<128x512xf32, #tpu.memory_space<vmem>>, vector<128x512xf32>
    %get3A_112 = arith.constant 0 : index
    %get3A_113 = arith.constant 0 : index
    %get3A_114 = vector.load %arg4[%get3A_112, %get3A_113] : memref<128x512xf32, #tpu.memory_space<vmem>>, vector<128x512xf32>
    %get3A_115 = arith.constant 0 : index
    %get3A_116 = arith.constant 0 : index
    %get3A_117 = vector.load %arg12[%get3A_115, %get3A_116] : memref<16x1xi32, #tpu.memory_space<vmem>>, vector<16x1xi32>
    %get3A_118 = arith.constant 0 : index
    %get3A_119 = memref.load %arg14[%get3A_118] : memref<8xi32, #tpu.memory_space<smem>>
    %get3A_120 = arith.constant 1 : index
    %get3A_121 = memref.load %arg14[%get3A_120] : memref<8xi32, #tpu.memory_space<smem>>
    %get3A_122 = arith.constant 2 : index
    %get3A_123 = memref.load %arg14[%get3A_122] : memref<8xi32, #tpu.memory_space<smem>>
    %get3A_124 = arith.constant 3 : index
    %get3A_125 = memref.load %arg14[%get3A_124] : memref<8xi32, #tpu.memory_space<smem>>
    %get3A_126 = arith.constant 4 : index
    %get3A_127 = memref.load %arg14[%get3A_126] : memref<8xi32, #tpu.memory_space<smem>>
    %get3A_128 = arith.constant 5 : index
    %get3A_129 = memref.load %arg14[%get3A_128] : memref<8xi32, #tpu.memory_space<smem>>
    %get3A_130 = arith.constant 6 : index
    %get3A_131 = memref.load %arg14[%get3A_130] : memref<8xi32, #tpu.memory_space<smem>>
    %get3A_132 = arith.constant 7 : index
    %get3A_133 = memref.load %arg14[%get3A_132] : memref<8xi32, #tpu.memory_space<smem>>
    %get3A_134 = arith.constant 0 : index
    %get3A_135 = arith.constant 0 : index
    %get3A_136 = arith.constant 0 : index
    %get3A_137 = vector.load %arg15[%get3A_134, %get3A_135, %get3A_136] : memref<2x8x128xf32, #tpu.memory_space<vmem>>, vector<1x8x128xf32>
    %get3A_138 = vector.shape_cast %get3A_137 : vector<1x8x128xf32> to vector<8x128xf32>
    %get3A_139 = arith.constant 1 : index
    %get3A_140 = arith.constant 0 : index
    %get3A_141 = arith.constant 0 : index
    %get3A_142 = vector.load %arg15[%get3A_139, %get3A_140, %get3A_141] : memref<2x8x128xf32, #tpu.memory_space<vmem>>, vector<1x8x128xf32>
    %get3A_143 = vector.shape_cast %get3A_142 : vector<1x8x128xf32> to vector<8x128xf32>
    %concatenate3A = tpu.concatenate %get3A_138, %get3A_143 in 0 : vector<8x128xf32>, vector<8x128xf32> -> vector<16x128xf32>
    %get3A_144 = arith.constant 0 : index
    %get3A_145 = arith.constant 0 : index
    %get3A_146 = arith.constant 0 : index
    %get3A_147 = vector.load %arg16[%get3A_144, %get3A_145, %get3A_146] : memref<2x8x128xf32, #tpu.memory_space<vmem>>, vector<1x8x128xf32>
    %get3A_148 = vector.shape_cast %get3A_147 : vector<1x8x128xf32> to vector<8x128xf32>
    %get3A_149 = arith.constant 1 : index
    %get3A_150 = arith.constant 0 : index
    %get3A_151 = arith.constant 0 : index
    %get3A_152 = vector.load %arg16[%get3A_149, %get3A_150, %get3A_151] : memref<2x8x128xf32, #tpu.memory_space<vmem>>, vector<1x8x128xf32>
    %get3A_153 = vector.shape_cast %get3A_152 : vector<1x8x128xf32> to vector<8x128xf32>
    %concatenate3A_154 = tpu.concatenate %get3A_148, %get3A_153 in 0 : vector<8x128xf32>, vector<8x128xf32> -> vector<16x128xf32>
    %scan3A = arith.constant 0 : i32
    %scan3A_155 = arith.constant 512 : i32
    %scan3A_156 = arith.addi %scan3A, %scan3A_155 : i32
    %scan3A_157 = arith.constant 4 : i32
    %scan3A_158:2 = scf.for %scan3A_410 = %scan3A to %scan3A_156 step %scan3A_157 iter_args(%scan3A_411 = %concatenate3A, %scan3A_412 = %concatenate3A_154) -> (vector<16x128xf32>, vector<16x128xf32>)  : i32 {
      %get3A_413 = arith.index_cast %scan3A_410 : i32 to index
      %get3A_414 = arith.constant 0 : index
      %get3A_415 = arith.constant 0 : index
      %get3A_416 = vector.load %arg19[%get3A_413, %get3A_414, %get3A_415] : memref<512x8x512xf32, #tpu.memory_space<vmem>>, vector<1x8x512xf32>
      %get3A_417 = vector.shape_cast %get3A_416 : vector<1x8x512xf32> to vector<8x512xf32>
      %slice3A_418 = vector.extract_strided_slice %scan3A_411 {offsets = [0, 0], sizes = [8, 128], strides = [1, 1]} : vector<16x128xf32> to vector<8x128xf32>
      %dot_general3A_419 = arith.constant dense<0.000000e+00> : vector<8x512xf32>
      %dot_general3A_420 = tpu.matmul %slice3A_418, %get3A_111, %dot_general3A_419 {dimension_numbers = #tpu.dot_dimension_numbers<[1], [0], [0], [1], [0, 0, 1, 1], [], []>, transpose_lhs_hint = false} : vector<8x128xf32>, vector<128x512xf32>, vector<8x512xf32> -> vector<8x512xf32>
      %add3A_421 = arith.addf %get3A_417, %dot_general3A_420 : vector<8x512xf32>
      %get3A_422 = arith.index_cast %scan3A_410 : i32 to index
      %get3A_423 = arith.constant 0 : index
      %get3A_424 = arith.constant 0 : index
      %get3A_425 = vector.load %arg20[%get3A_422, %get3A_423, %get3A_424] : memref<512x8x512xf32, #tpu.memory_space<vmem>>, vector<1x8x512xf32>
      %get3A_426 = vector.shape_cast %get3A_425 : vector<1x8x512xf32> to vector<8x512xf32>
      %slice3A_427 = vector.extract_strided_slice %scan3A_411 {offsets = [8, 0], sizes = [8, 128], strides = [1, 1]} : vector<16x128xf32> to vector<8x128xf32>
      %dot_general3A_428 = arith.constant dense<0.000000e+00> : vector<8x512xf32>
      %dot_general3A_429 = tpu.matmul %slice3A_427, %get3A_114, %dot_general3A_428 {dimension_numbers = #tpu.dot_dimension_numbers<[1], [0], [0], [1], [0, 0, 1, 1], [], []>, transpose_lhs_hint = false} : vector<8x128xf32>, vector<128x512xf32>, vector<8x512xf32> -> vector<8x512xf32>
      %add3A_430 = arith.addf %get3A_426, %dot_general3A_429 : vector<8x512xf32>
      %concatenate3A_431 = tpu.concatenate %add3A_421, %add3A_430 in 0 : vector<8x512xf32>, vector<8x512xf32> -> vector<16x512xf32>
      %slice3A_432 = vector.extract_strided_slice %concatenate3A_431 {offsets = [0, 0], sizes = [16, 128], strides = [1, 1]} : vector<16x512xf32> to vector<16x128xf32>
      %logistic3A = arith.negf %slice3A_432 : vector<16x128xf32>
      %logistic3A_433 = math.exp %logistic3A : vector<16x128xf32>
      %logistic3A_434 = arith.constant 1.000000e+00 : f32
      %logistic3A_435 = vector.broadcast %logistic3A_434 : f32 to vector<16x128xf32>
      %logistic3A_436 = arith.addf %logistic3A_435, %logistic3A_433 : vector<16x128xf32>
      %logistic3A_437 = arith.divf %logistic3A_435, %logistic3A_436 : vector<16x128xf32>
      %slice3A_438 = vector.extract_strided_slice %concatenate3A_431 {offsets = [0, 128], sizes = [16, 128], strides = [1, 1]} : vector<16x512xf32> to vector<16x128xf32>
      %logistic3A_439 = arith.negf %slice3A_438 : vector<16x128xf32>
      %logistic3A_440 = math.exp %logistic3A_439 : vector<16x128xf32>
      %logistic3A_441 = arith.constant 1.000000e+00 : f32
      %logistic3A_442 = vector.broadcast %logistic3A_441 : f32 to vector<16x128xf32>
      %logistic3A_443 = arith.addf %logistic3A_442, %logistic3A_440 : vector<16x128xf32>
      %logistic3A_444 = arith.divf %logistic3A_442, %logistic3A_443 : vector<16x128xf32>
      %slice3A_445 = vector.extract_strided_slice %concatenate3A_431 {offsets = [0, 256], sizes = [16, 128], strides = [1, 1]} : vector<16x512xf32> to vector<16x128xf32>
      %tanh3A = math.tanh %slice3A_445 : vector<16x128xf32>
      %slice3A_446 = vector.extract_strided_slice %concatenate3A_431 {offsets = [0, 384], sizes = [16, 128], strides = [1, 1]} : vector<16x512xf32> to vector<16x128xf32>
      %logistic3A_447 = arith.negf %slice3A_446 : vector<16x128xf32>
      %logistic3A_448 = math.exp %logistic3A_447 : vector<16x128xf32>
      %logistic3A_449 = arith.constant 1.000000e+00 : f32
      %logistic3A_450 = vector.broadcast %logistic3A_449 : f32 to vector<16x128xf32>
      %logistic3A_451 = arith.addf %logistic3A_450, %logistic3A_448 : vector<16x128xf32>
      %logistic3A_452 = arith.divf %logistic3A_450, %logistic3A_451 : vector<16x128xf32>
      %mul3A_453 = arith.mulf %logistic3A_444, %scan3A_412 : vector<16x128xf32>
      %mul3A_454 = arith.mulf %logistic3A_437, %tanh3A : vector<16x128xf32>
      %add3A_455 = arith.addf %mul3A_453, %mul3A_454 : vector<16x128xf32>
      %tanh3A_456 = math.tanh %add3A_455 : vector<16x128xf32>
      %mul3A_457 = arith.mulf %logistic3A_452, %tanh3A_456 : vector<16x128xf32>
      %lt3A = vector.broadcast %scan3A_410 : i32 to vector<16x1xi32>
      %lt3A_458 = arith.cmpi slt, %lt3A, %get3A_117 : vector<16x1xi32>
      %broadcast_in_dim3A_459 = vector.shape_cast %lt3A_458 : vector<16x1xi1> to vector<16x1xi1>
      %broadcast_in_dim3A_460 = vector.broadcast %broadcast_in_dim3A_459 : vector<16x1xi1> to vector<16x128xi1>
      %select_n3A_461 = arith.select %broadcast_in_dim3A_460, %mul3A_457, %scan3A_411 : vector<16x128xi1>, vector<16x128xf32>
      %broadcast_in_dim3A_462 = vector.shape_cast %lt3A_458 : vector<16x1xi1> to vector<16x1xi1>
      %broadcast_in_dim3A_463 = vector.broadcast %broadcast_in_dim3A_462 : vector<16x1xi1> to vector<16x128xi1>
      %select_n3A_464 = arith.select %broadcast_in_dim3A_463, %add3A_455, %scan3A_412 : vector<16x128xi1>, vector<16x128xf32>
      %jit3A_465 = arith.constant 0.000000e+00 : f32
      %broadcast_in_dim3A_466 = vector.shape_cast %lt3A_458 : vector<16x1xi1> to vector<16x1xi1>
      %broadcast_in_dim3A_467 = vector.broadcast %broadcast_in_dim3A_466 : vector<16x1xi1> to vector<16x128xi1>
      %broadcast_in_dim3A_468 = vector.broadcast %jit3A_465 : f32 to vector<16x128xf32>
      %select_n3A_469 = arith.select %broadcast_in_dim3A_467, %mul3A_457, %broadcast_in_dim3A_468 : vector<16x128xi1>, vector<16x128xf32>
      %slice3A_470 = vector.extract_strided_slice %select_n3A_469 {offsets = [0, 0], sizes = [8, 128], strides = [1, 1]} : vector<16x128xf32> to vector<8x128xf32>
      %broadcast_in_dim3A_471 = vector.shape_cast %slice3A_470 : vector<8x128xf32> to vector<1x8x128xf32>
      %swap3A_472 = arith.index_cast %scan3A_410 : i32 to index
      %swap3A_473 = arith.constant 0 : index
      %swap3A_474 = arith.constant 0 : index
      %swap3A_475 = vector.load %arg21[%swap3A_472, %swap3A_473, %swap3A_474] : memref<512x8x128xf32, #tpu.memory_space<vmem>>, vector<1x8x128xf32>
      tpu.vector_store %arg21[%swap3A_472, %swap3A_473, %swap3A_474], %broadcast_in_dim3A_471 {strides = array<i32>} : memref<512x8x128xf32, #tpu.memory_space<vmem>>, vector<1x8x128xf32>,
      %lt3A_476 = arith.cmpi slt, %scan3A_410, %get3A_119 : i32
      %sub3A = arith.constant 1 : i32
      %sub3A_477 = arith.subi %get3A_119, %sub3A : i32
      %sub3A_478 = arith.subi %sub3A_477, %scan3A_410 : i32
      %select_n3A_479 = arith.select %lt3A_476, %sub3A_478, %scan3A_410 : i32
      %slice3A_480 = vector.extract_strided_slice %select_n3A_469 {offsets = [8, 0], sizes = [1, 128], strides = [1, 1]} : vector<16x128xf32> to vector<1x128xf32>
      %broadcast_in_dim3A_481 = vector.shape_cast %slice3A_480 : vector<1x128xf32> to vector<1x1x128xf32>
      %swap3A_482 = arith.index_cast %select_n3A_479 : i32 to index
      %swap3A_483 = arith.constant 0 : index
      %swap3A_484 = arith.constant 0 : index
      %swap3A_485 = vector.load %arg22[%swap3A_482, %swap3A_483, %swap3A_484] : memref<512x8x128xf32, #tpu.memory_space<vmem>>, vector<1x1x128xf32>
      tpu.vector_store %arg22[%swap3A_482, %swap3A_483, %swap3A_484], %broadcast_in_dim3A_481 {strides = array<i32>} : memref<512x8x128xf32, #tpu.memory_space<vmem>>, vector<1x1x128xf32>,
      %lt3A_486 = arith.cmpi slt, %scan3A_410, %get3A_121 : i32
      %sub3A_487 = arith.constant 1 : i32
      %sub3A_488 = arith.subi %get3A_121, %sub3A_487 : i32
      %sub3A_489 = arith.subi %sub3A_488, %scan3A_410 : i32
      %select_n3A_490 = arith.select %lt3A_486, %sub3A_489, %scan3A_410 : i32
      %slice3A_491 = vector.extract_strided_slice %select_n3A_469 {offsets = [9, 0], sizes = [1, 128], strides = [1, 1]} : vector<16x128xf32> to vector<1x128xf32>
      %broadcast_in_dim3A_492 = vector.shape_cast %slice3A_491 : vector<1x128xf32> to vector<1x1x128xf32>
      %swap3A_493 = arith.index_cast %select_n3A_490 : i32 to index
      %swap3A_494 = arith.constant 1 : index
      %swap3A_495 = arith.constant 0 : index
      %swap3A_496 = vector.load %arg22[%swap3A_493, %swap3A_494, %swap3A_495] : memref<512x8x128xf32, #tpu.memory_space<vmem>>, vector<1x1x128xf32>
      tpu.vector_store %arg22[%swap3A_493, %swap3A_494, %swap3A_495], %broadcast_in_dim3A_492 {strides = array<i32>} : memref<512x8x128xf32, #tpu.memory_space<vmem>>, vector<1x1x128xf32>,
      %lt3A_497 = arith.cmpi slt, %scan3A_410, %get3A_123 : i32
      %sub3A_498 = arith.constant 1 : i32
      %sub3A_499 = arith.subi %get3A_123, %sub3A_498 : i32
      %sub3A_500 = arith.subi %sub3A_499, %scan3A_410 : i32
      %select_n3A_501 = arith.select %lt3A_497, %sub3A_500, %scan3A_410 : i32
      %slice3A_502 = vector.extract_strided_slice %select_n3A_469 {offsets = [10, 0], sizes = [1, 128], strides = [1, 1]} : vector<16x128xf32> to vector<1x128xf32>
      %broadcast_in_dim3A_503 = vector.shape_cast %slice3A_502 : vector<1x128xf32> to vector<1x1x128xf32>
      %swap3A_504 = arith.index_cast %select_n3A_501 : i32 to index
      %swap3A_505 = arith.constant 2 : index
      %swap3A_506 = arith.constant 0 : index
      %swap3A_507 = vector.load %arg22[%swap3A_504, %swap3A_505, %swap3A_506] : memref<512x8x128xf32, #tpu.memory_space<vmem>>, vector<1x1x128xf32>
      tpu.vector_store %arg22[%swap3A_504, %swap3A_505, %swap3A_506], %broadcast_in_dim3A_503 {strides = array<i32>} : memref<512x8x128xf32, #tpu.memory_space<vmem>>, vector<1x1x128xf32>,
      %lt3A_508 = arith.cmpi slt, %scan3A_410, %get3A_125 : i32
      %sub3A_509 = arith.constant 1 : i32
      %sub3A_510 = arith.subi %get3A_125, %sub3A_509 : i32
      %sub3A_511 = arith.subi %sub3A_510, %scan3A_410 : i32
      %select_n3A_512 = arith.select %lt3A_508, %sub3A_511, %scan3A_410 : i32
      %slice3A_513 = vector.extract_strided_slice %select_n3A_469 {offsets = [11, 0], sizes = [1, 128], strides = [1, 1]} : vector<16x128xf32> to vector<1x128xf32>
      %broadcast_in_dim3A_514 = vector.shape_cast %slice3A_513 : vector<1x128xf32> to vector<1x1x128xf32>
      %swap3A_515 = arith.index_cast %select_n3A_512 : i32 to index
      %swap3A_516 = arith.constant 3 : index
      %swap3A_517 = arith.constant 0 : index
      %swap3A_518 = vector.load %arg22[%swap3A_515, %swap3A_516, %swap3A_517] : memref<512x8x128xf32, #tpu.memory_space<vmem>>, vector<1x1x128xf32>
      tpu.vector_store %arg22[%swap3A_515, %swap3A_516, %swap3A_517], %broadcast_in_dim3A_514 {strides = array<i32>} : memref<512x8x128xf32, #tpu.memory_space<vmem>>, vector<1x1x128xf32>,
      %lt3A_519 = arith.cmpi slt, %scan3A_410, %get3A_127 : i32
      %sub3A_520 = arith.constant 1 : i32
      %sub3A_521 = arith.subi %get3A_127, %sub3A_520 : i32
      %sub3A_522 = arith.subi %sub3A_521, %scan3A_410 : i32
      %select_n3A_523 = arith.select %lt3A_519, %sub3A_522, %scan3A_410 : i32
      %slice3A_524 = vector.extract_strided_slice %select_n3A_469 {offsets = [12, 0], sizes = [1, 128], strides = [1, 1]} : vector<16x128xf32> to vector<1x128xf32>
      %broadcast_in_dim3A_525 = vector.shape_cast %slice3A_524 : vector<1x128xf32> to vector<1x1x128xf32>
      %swap3A_526 = arith.index_cast %select_n3A_523 : i32 to index
      %swap3A_527 = arith.constant 4 : index
      %swap3A_528 = arith.constant 0 : index
      %swap3A_529 = vector.load %arg22[%swap3A_526, %swap3A_527, %swap3A_528] : memref<512x8x128xf32, #tpu.memory_space<vmem>>, vector<1x1x128xf32>
      tpu.vector_store %arg22[%swap3A_526, %swap3A_527, %swap3A_528], %broadcast_in_dim3A_525 {strides = array<i32>} : memref<512x8x128xf32, #tpu.memory_space<vmem>>, vector<1x1x128xf32>,
      %lt3A_530 = arith.cmpi slt, %scan3A_410, %get3A_129 : i32
      %sub3A_531 = arith.constant 1 : i32
      %sub3A_532 = arith.subi %get3A_129, %sub3A_531 : i32
      %sub3A_533 = arith.subi %sub3A_532, %scan3A_410 : i32
      %select_n3A_534 = arith.select %lt3A_530, %sub3A_533, %scan3A_410 : i32
      %slice3A_535 = vector.extract_strided_slice %select_n3A_469 {offsets = [13, 0], sizes = [1, 128], strides = [1, 1]} : vector<16x128xf32> to vector<1x128xf32>
      %broadcast_in_dim3A_536 = vector.shape_cast %slice3A_535 : vector<1x128xf32> to vector<1x1x128xf32>
      %swap3A_537 = arith.index_cast %select_n3A_534 : i32 to index
      %swap3A_538 = arith.constant 5 : index
      %swap3A_539 = arith.constant 0 : index
      %swap3A_540 = vector.load %arg22[%swap3A_537, %swap3A_538, %swap3A_539] : memref<512x8x128xf32, #tpu.memory_space<vmem>>, vector<1x1x128xf32>
      tpu.vector_store %arg22[%swap3A_537, %swap3A_538, %swap3A_539], %broadcast_in_dim3A_536 {strides = array<i32>} : memref<512x8x128xf32, #tpu.memory_space<vmem>>, vector<1x1x128xf32>,
      %lt3A_541 = arith.cmpi slt, %scan3A_410, %get3A_131 : i32
      %sub3A_542 = arith.constant 1 : i32
      %sub3A_543 = arith.subi %get3A_131, %sub3A_542 : i32
      %sub3A_544 = arith.subi %sub3A_543, %scan3A_410 : i32
      %select_n3A_545 = arith.select %lt3A_541, %sub3A_544, %scan3A_410 : i32
      %slice3A_546 = vector.extract_strided_slice %select_n3A_469 {offsets = [14, 0], sizes = [1, 128], strides = [1, 1]} : vector<16x128xf32> to vector<1x128xf32>
      %broadcast_in_dim3A_547 = vector.shape_cast %slice3A_546 : vector<1x128xf32> to vector<1x1x128xf32>
      %swap3A_548 = arith.index_cast %select_n3A_545 : i32 to index
      %swap3A_549 = arith.constant 6 : index
      %swap3A_550 = arith.constant 0 : index
      %swap3A_551 = vector.load %arg22[%swap3A_548, %swap3A_549, %swap3A_550] : memref<512x8x128xf32, #tpu.memory_space<vmem>>, vector<1x1x128xf32>
      tpu.vector_store %arg22[%swap3A_548, %swap3A_549, %swap3A_550], %broadcast_in_dim3A_547 {strides = array<i32>} : memref<512x8x128xf32, #tpu.memory_space<vmem>>, vector<1x1x128xf32>,
      %lt3A_552 = arith.cmpi slt, %scan3A_410, %get3A_133 : i32
      %sub3A_553 = arith.constant 1 : i32
      %sub3A_554 = arith.subi %get3A_133, %sub3A_553 : i32
      %sub3A_555 = arith.subi %sub3A_554, %scan3A_410 : i32
      %select_n3A_556 = arith.select %lt3A_552, %sub3A_555, %scan3A_410 : i32
      %slice3A_557 = vector.extract_strided_slice %select_n3A_469 {offsets = [15, 0], sizes = [1, 128], strides = [1, 1]} : vector<16x128xf32> to vector<1x128xf32>
      %broadcast_in_dim3A_558 = vector.shape_cast %slice3A_557 : vector<1x128xf32> to vector<1x1x128xf32>
      %swap3A_559 = arith.index_cast %select_n3A_556 : i32 to index
      %swap3A_560 = arith.constant 7 : index
      %swap3A_561 = arith.constant 0 : index
      %swap3A_562 = vector.load %arg22[%swap3A_559, %swap3A_560, %swap3A_561] : memref<512x8x128xf32, #tpu.memory_space<vmem>>, vector<1x1x128xf32>
      tpu.vector_store %arg22[%swap3A_559, %swap3A_560, %swap3A_561], %broadcast_in_dim3A_558 {strides = array<i32>} : memref<512x8x128xf32, #tpu.memory_space<vmem>>, vector<1x1x128xf32>,
      %scan3A_563 = arith.constant 1 : i32
      %scan3A_564 = arith.addi %scan3A_410, %scan3A_563 : i32
      %get3A_565 = arith.index_cast %scan3A_564 : i32 to index
      %get3A_566 = arith.constant 0 : index
      %get3A_567 = arith.constant 0 : index
      %get3A_568 = vector.load %arg19[%get3A_565, %get3A_566, %get3A_567] : memref<512x8x512xf32, #tpu.memory_space<vmem>>, vector<1x8x512xf32>
      %get3A_569 = vector.shape_cast %get3A_568 : vector<1x8x512xf32> to vector<8x512xf32>
      %slice3A_570 = vector.extract_strided_slice %select_n3A_461 {offsets = [0, 0], sizes = [8, 128], strides = [1, 1]} : vector<16x128xf32> to vector<8x128xf32>
      %dot_general3A_571 = arith.constant dense<0.000000e+00> : vector<8x512xf32>
      %dot_general3A_572 = tpu.matmul %slice3A_570, %get3A_111, %dot_general3A_571 {dimension_numbers = #tpu.dot_dimension_numbers<[1], [0], [0], [1], [0, 0, 1, 1], [], []>, transpose_lhs_hint = false} : vector<8x128xf32>, vector<128x512xf32>, vector<8x512xf32> -> vector<8x512xf32>
      %add3A_573 = arith.addf %get3A_569, %dot_general3A_572 : vector<8x512xf32>
      %get3A_574 = arith.index_cast %scan3A_564 : i32 to index
      %get3A_575 = arith.constant 0 : index
      %get3A_576 = arith.constant 0 : index
      %get3A_577 = vector.load %arg20[%get3A_574, %get3A_575, %get3A_576] : memref<512x8x512xf32, #tpu.memory_space<vmem>>, vector<1x8x512xf32>
      %get3A_578 = vector.shape_cast %get3A_577 : vector<1x8x512xf32> to vector<8x512xf32>
      %slice3A_579 = vector.extract_strided_slice %select_n3A_461 {offsets = [8, 0], sizes = [8, 128], strides = [1, 1]} : vector<16x128xf32> to vector<8x128xf32>
      %dot_general3A_580 = arith.constant dense<0.000000e+00> : vector<8x512xf32>
      %dot_general3A_581 = tpu.matmul %slice3A_579, %get3A_114, %dot_general3A_580 {dimension_numbers = #tpu.dot_dimension_numbers<[1], [0], [0], [1], [0, 0, 1, 1], [], []>, transpose_lhs_hint = false} : vector<8x128xf32>, vector<128x512xf32>, vector<8x512xf32> -> vector<8x512xf32>
      %add3A_582 = arith.addf %get3A_578, %dot_general3A_581 : vector<8x512xf32>
      %concatenate3A_583 = tpu.concatenate %add3A_573, %add3A_582 in 0 : vector<8x512xf32>, vector<8x512xf32> -> vector<16x512xf32>
      %slice3A_584 = vector.extract_strided_slice %concatenate3A_583 {offsets = [0, 0], sizes = [16, 128], strides = [1, 1]} : vector<16x512xf32> to vector<16x128xf32>
      %logistic3A_585 = arith.negf %slice3A_584 : vector<16x128xf32>
      %logistic3A_586 = math.exp %logistic3A_585 : vector<16x128xf32>
      %logistic3A_587 = arith.constant 1.000000e+00 : f32
      %logistic3A_588 = vector.broadcast %logistic3A_587 : f32 to vector<16x128xf32>
      %logistic3A_589 = arith.addf %logistic3A_588, %logistic3A_586 : vector<16x128xf32>
      %logistic3A_590 = arith.divf %logistic3A_588, %logistic3A_589 : vector<16x128xf32>
      %slice3A_591 = vector.extract_strided_slice %concatenate3A_583 {offsets = [0, 128], sizes = [16, 128], strides = [1, 1]} : vector<16x512xf32> to vector<16x128xf32>
      %logistic3A_592 = arith.negf %slice3A_591 : vector<16x128xf32>
      %logistic3A_593 = math.exp %logistic3A_592 : vector<16x128xf32>
      %logistic3A_594 = arith.constant 1.000000e+00 : f32
      %logistic3A_595 = vector.broadcast %logistic3A_594 : f32 to vector<16x128xf32>
      %logistic3A_596 = arith.addf %logistic3A_595, %logistic3A_593 : vector<16x128xf32>
      %logistic3A_597 = arith.divf %logistic3A_595, %logistic3A_596 : vector<16x128xf32>
      %slice3A_598 = vector.extract_strided_slice %concatenate3A_583 {offsets = [0, 256], sizes = [16, 128], strides = [1, 1]} : vector<16x512xf32> to vector<16x128xf32>
      %tanh3A_599 = math.tanh %slice3A_598 : vector<16x128xf32>
      %slice3A_600 = vector.extract_strided_slice %concatenate3A_583 {offsets = [0, 384], sizes = [16, 128], strides = [1, 1]} : vector<16x512xf32> to vector<16x128xf32>
      %logistic3A_601 = arith.negf %slice3A_600 : vector<16x128xf32>
      %logistic3A_602 = math.exp %logistic3A_601 : vector<16x128xf32>
      %logistic3A_603 = arith.constant 1.000000e+00 : f32
      %logistic3A_604 = vector.broadcast %logistic3A_603 : f32 to vector<16x128xf32>
      %logistic3A_605 = arith.addf %logistic3A_604, %logistic3A_602 : vector<16x128xf32>
      %logistic3A_606 = arith.divf %logistic3A_604, %logistic3A_605 : vector<16x128xf32>
      %mul3A_607 = arith.mulf %logistic3A_597, %select_n3A_464 : vector<16x128xf32>
      %mul3A_608 = arith.mulf %logistic3A_590, %tanh3A_599 : vector<16x128xf32>
      %add3A_609 = arith.addf %mul3A_607, %mul3A_608 : vector<16x128xf32>
      %tanh3A_610 = math.tanh %add3A_609 : vector<16x128xf32>
      %mul3A_611 = arith.mulf %logistic3A_606, %tanh3A_610 : vector<16x128xf32>
      %lt3A_612 = vector.broadcast %scan3A_564 : i32 to vector<16x1xi32>
      %lt3A_613 = arith.cmpi slt, %lt3A_612, %get3A_117 : vector<16x1xi32>
      %broadcast_in_dim3A_614 = vector.shape_cast %lt3A_613 : vector<16x1xi1> to vector<16x1xi1>
      %broadcast_in_dim3A_615 = vector.broadcast %broadcast_in_dim3A_614 : vector<16x1xi1> to vector<16x128xi1>
      %select_n3A_616 = arith.select %broadcast_in_dim3A_615, %mul3A_611, %select_n3A_461 : vector<16x128xi1>, vector<16x128xf32>
      %broadcast_in_dim3A_617 = vector.shape_cast %lt3A_613 : vector<16x1xi1> to vector<16x1xi1>
      %broadcast_in_dim3A_618 = vector.broadcast %broadcast_in_dim3A_617 : vector<16x1xi1> to vector<16x128xi1>
      %select_n3A_619 = arith.select %broadcast_in_dim3A_618, %add3A_609, %select_n3A_464 : vector<16x128xi1>, vector<16x128xf32>
      %jit3A_620 = arith.constant 0.000000e+00 : f32
      %broadcast_in_dim3A_621 = vector.shape_cast %lt3A_613 : vector<16x1xi1> to vector<16x1xi1>
      %broadcast_in_dim3A_622 = vector.broadcast %broadcast_in_dim3A_621 : vector<16x1xi1> to vector<16x128xi1>
      %broadcast_in_dim3A_623 = vector.broadcast %jit3A_620 : f32 to vector<16x128xf32>
      %select_n3A_624 = arith.select %broadcast_in_dim3A_622, %mul3A_611, %broadcast_in_dim3A_623 : vector<16x128xi1>, vector<16x128xf32>
      %slice3A_625 = vector.extract_strided_slice %select_n3A_624 {offsets = [0, 0], sizes = [8, 128], strides = [1, 1]} : vector<16x128xf32> to vector<8x128xf32>
      %broadcast_in_dim3A_626 = vector.shape_cast %slice3A_625 : vector<8x128xf32> to vector<1x8x128xf32>
      %swap3A_627 = arith.index_cast %scan3A_564 : i32 to index
      %swap3A_628 = arith.constant 0 : index
      %swap3A_629 = arith.constant 0 : index
      %swap3A_630 = vector.load %arg21[%swap3A_627, %swap3A_628, %swap3A_629] : memref<512x8x128xf32, #tpu.memory_space<vmem>>, vector<1x8x128xf32>
      tpu.vector_store %arg21[%swap3A_627, %swap3A_628, %swap3A_629], %broadcast_in_dim3A_626 {strides = array<i32>} : memref<512x8x128xf32, #tpu.memory_space<vmem>>, vector<1x8x128xf32>,
      %lt3A_631 = arith.cmpi slt, %scan3A_564, %get3A_119 : i32
      %sub3A_632 = arith.constant 1 : i32
      %sub3A_633 = arith.subi %get3A_119, %sub3A_632 : i32
      %sub3A_634 = arith.subi %sub3A_633, %scan3A_564 : i32
      %select_n3A_635 = arith.select %lt3A_631, %sub3A_634, %scan3A_564 : i32
      %slice3A_636 = vector.extract_strided_slice %select_n3A_624 {offsets = [8, 0], sizes = [1, 128], strides = [1, 1]} : vector<16x128xf32> to vector<1x128xf32>
      %broadcast_in_dim3A_637 = vector.shape_cast %slice3A_636 : vector<1x128xf32> to vector<1x1x128xf32>
      %swap3A_638 = arith.index_cast %select_n3A_635 : i32 to index
      %swap3A_639 = arith.constant 0 : index
      %swap3A_640 = arith.constant 0 : index
      %swap3A_641 = vector.load %arg22[%swap3A_638, %swap3A_639, %swap3A_640] : memref<512x8x128xf32, #tpu.memory_space<vmem>>, vector<1x1x128xf32>
      tpu.vector_store %arg22[%swap3A_638, %swap3A_639, %swap3A_640], %broadcast_in_dim3A_637 {strides = array<i32>} : memref<512x8x128xf32, #tpu.memory_space<vmem>>, vector<1x1x128xf32>,
      %lt3A_642 = arith.cmpi slt, %scan3A_564, %get3A_121 : i32
      %sub3A_643 = arith.constant 1 : i32
      %sub3A_644 = arith.subi %get3A_121, %sub3A_643 : i32
      %sub3A_645 = arith.subi %sub3A_644, %scan3A_564 : i32
      %select_n3A_646 = arith.select %lt3A_642, %sub3A_645, %scan3A_564 : i32
      %slice3A_647 = vector.extract_strided_slice %select_n3A_624 {offsets = [9, 0], sizes = [1, 128], strides = [1, 1]} : vector<16x128xf32> to vector<1x128xf32>
      %broadcast_in_dim3A_648 = vector.shape_cast %slice3A_647 : vector<1x128xf32> to vector<1x1x128xf32>
      %swap3A_649 = arith.index_cast %select_n3A_646 : i32 to index
      %swap3A_650 = arith.constant 1 : index
      %swap3A_651 = arith.constant 0 : index
      %swap3A_652 = vector.load %arg22[%swap3A_649, %swap3A_650, %swap3A_651] : memref<512x8x128xf32, #tpu.memory_space<vmem>>, vector<1x1x128xf32>
      tpu.vector_store %arg22[%swap3A_649, %swap3A_650, %swap3A_651], %broadcast_in_dim3A_648 {strides = array<i32>} : memref<512x8x128xf32, #tpu.memory_space<vmem>>, vector<1x1x128xf32>,
      %lt3A_653 = arith.cmpi slt, %scan3A_564, %get3A_123 : i32
      %sub3A_654 = arith.constant 1 : i32
      %sub3A_655 = arith.subi %get3A_123, %sub3A_654 : i32
      %sub3A_656 = arith.subi %sub3A_655, %scan3A_564 : i32
      %select_n3A_657 = arith.select %lt3A_653, %sub3A_656, %scan3A_564 : i32
      %slice3A_658 = vector.extract_strided_slice %select_n3A_624 {offsets = [10, 0], sizes = [1, 128], strides = [1, 1]} : vector<16x128xf32> to vector<1x128xf32>
      %broadcast_in_dim3A_659 = vector.shape_cast %slice3A_658 : vector<1x128xf32> to vector<1x1x128xf32>
      %swap3A_660 = arith.index_cast %select_n3A_657 : i32 to index
      %swap3A_661 = arith.constant 2 : index
      %swap3A_662 = arith.constant 0 : index
      %swap3A_663 = vector.load %arg22[%swap3A_660, %swap3A_661, %swap3A_662] : memref<512x8x128xf32, #tpu.memory_space<vmem>>, vector<1x1x128xf32>
      tpu.vector_store %arg22[%swap3A_660, %swap3A_661, %swap3A_662], %broadcast_in_dim3A_659 {strides = array<i32>} : memref<512x8x128xf32, #tpu.memory_space<vmem>>, vector<1x1x128xf32>,
      %lt3A_664 = arith.cmpi slt, %scan3A_564, %get3A_125 : i32
      %sub3A_665 = arith.constant 1 : i32
      %sub3A_666 = arith.subi %get3A_125, %sub3A_665 : i32
      %sub3A_667 = arith.subi %sub3A_666, %scan3A_564 : i32
      %select_n3A_668 = arith.select %lt3A_664, %sub3A_667, %scan3A_564 : i32
      %slice3A_669 = vector.extract_strided_slice %select_n3A_624 {offsets = [11, 0], sizes = [1, 128], strides = [1, 1]} : vector<16x128xf32> to vector<1x128xf32>
      %broadcast_in_dim3A_670 = vector.shape_cast %slice3A_669 : vector<1x128xf32> to vector<1x1x128xf32>
      %swap3A_671 = arith.index_cast %select_n3A_668 : i32 to index
      %swap3A_672 = arith.constant 3 : index
      %swap3A_673 = arith.constant 0 : index
      %swap3A_674 = vector.load %arg22[%swap3A_671, %swap3A_672, %swap3A_673] : memref<512x8x128xf32, #tpu.memory_space<vmem>>, vector<1x1x128xf32>
      tpu.vector_store %arg22[%swap3A_671, %swap3A_672, %swap3A_673], %broadcast_in_dim3A_670 {strides = array<i32>} : memref<512x8x128xf32, #tpu.memory_space<vmem>>, vector<1x1x128xf32>,
      %lt3A_675 = arith.cmpi slt, %scan3A_564, %get3A_127 : i32
      %sub3A_676 = arith.constant 1 : i32
      %sub3A_677 = arith.subi %get3A_127, %sub3A_676 : i32
      %sub3A_678 = arith.subi %sub3A_677, %scan3A_564 : i32
      %select_n3A_679 = arith.select %lt3A_675, %sub3A_678, %scan3A_564 : i32
      %slice3A_680 = vector.extract_strided_slice %select_n3A_624 {offsets = [12, 0], sizes = [1, 128], strides = [1, 1]} : vector<16x128xf32> to vector<1x128xf32>
      %broadcast_in_dim3A_681 = vector.shape_cast %slice3A_680 : vector<1x128xf32> to vector<1x1x128xf32>
      %swap3A_682 = arith.index_cast %select_n3A_679 : i32 to index
      %swap3A_683 = arith.constant 4 : index
      %swap3A_684 = arith.constant 0 : index
      %swap3A_685 = vector.load %arg22[%swap3A_682, %swap3A_683, %swap3A_684] : memref<512x8x128xf32, #tpu.memory_space<vmem>>, vector<1x1x128xf32>
      tpu.vector_store %arg22[%swap3A_682, %swap3A_683, %swap3A_684], %broadcast_in_dim3A_681 {strides = array<i32>} : memref<512x8x128xf32, #tpu.memory_space<vmem>>, vector<1x1x128xf32>,
      %lt3A_686 = arith.cmpi slt, %scan3A_564, %get3A_129 : i32
      %sub3A_687 = arith.constant 1 : i32
      %sub3A_688 = arith.subi %get3A_129, %sub3A_687 : i32
      %sub3A_689 = arith.subi %sub3A_688, %scan3A_564 : i32
      %select_n3A_690 = arith.select %lt3A_686, %sub3A_689, %scan3A_564 : i32
      %slice3A_691 = vector.extract_strided_slice %select_n3A_624 {offsets = [13, 0], sizes = [1, 128], strides = [1, 1]} : vector<16x128xf32> to vector<1x128xf32>
      %broadcast_in_dim3A_692 = vector.shape_cast %slice3A_691 : vector<1x128xf32> to vector<1x1x128xf32>
      %swap3A_693 = arith.index_cast %select_n3A_690 : i32 to index
      %swap3A_694 = arith.constant 5 : index
      %swap3A_695 = arith.constant 0 : index
      %swap3A_696 = vector.load %arg22[%swap3A_693, %swap3A_694, %swap3A_695] : memref<512x8x128xf32, #tpu.memory_space<vmem>>, vector<1x1x128xf32>
      tpu.vector_store %arg22[%swap3A_693, %swap3A_694, %swap3A_695], %broadcast_in_dim3A_692 {strides = array<i32>} : memref<512x8x128xf32, #tpu.memory_space<vmem>>, vector<1x1x128xf32>,
      %lt3A_697 = arith.cmpi slt, %scan3A_564, %get3A_131 : i32
      %sub3A_698 = arith.constant 1 : i32
      %sub3A_699 = arith.subi %get3A_131, %sub3A_698 : i32
      %sub3A_700 = arith.subi %sub3A_699, %scan3A_564 : i32
      %select_n3A_701 = arith.select %lt3A_697, %sub3A_700, %scan3A_564 : i32
      %slice3A_702 = vector.extract_strided_slice %select_n3A_624 {offsets = [14, 0], sizes = [1, 128], strides = [1, 1]} : vector<16x128xf32> to vector<1x128xf32>
      %broadcast_in_dim3A_703 = vector.shape_cast %slice3A_702 : vector<1x128xf32> to vector<1x1x128xf32>
      %swap3A_704 = arith.index_cast %select_n3A_701 : i32 to index
      %swap3A_705 = arith.constant 6 : index
      %swap3A_706 = arith.constant 0 : index
      %swap3A_707 = vector.load %arg22[%swap3A_704, %swap3A_705, %swap3A_706] : memref<512x8x128xf32, #tpu.memory_space<vmem>>, vector<1x1x128xf32>
      tpu.vector_store %arg22[%swap3A_704, %swap3A_705, %swap3A_706], %broadcast_in_dim3A_703 {strides = array<i32>} : memref<512x8x128xf32, #tpu.memory_space<vmem>>, vector<1x1x128xf32>,
      %lt3A_708 = arith.cmpi slt, %scan3A_564, %get3A_133 : i32
      %sub3A_709 = arith.constant 1 : i32
      %sub3A_710 = arith.subi %get3A_133, %sub3A_709 : i32
      %sub3A_711 = arith.subi %sub3A_710, %scan3A_564 : i32
      %select_n3A_712 = arith.select %lt3A_708, %sub3A_711, %scan3A_564 : i32
      %slice3A_713 = vector.extract_strided_slice %select_n3A_624 {offsets = [15, 0], sizes = [1, 128], strides = [1, 1]} : vector<16x128xf32> to vector<1x128xf32>
      %broadcast_in_dim3A_714 = vector.shape_cast %slice3A_713 : vector<1x128xf32> to vector<1x1x128xf32>
      %swap3A_715 = arith.index_cast %select_n3A_712 : i32 to index
      %swap3A_716 = arith.constant 7 : index
      %swap3A_717 = arith.constant 0 : index
      %swap3A_718 = vector.load %arg22[%swap3A_715, %swap3A_716, %swap3A_717] : memref<512x8x128xf32, #tpu.memory_space<vmem>>, vector<1x1x128xf32>
      tpu.vector_store %arg22[%swap3A_715, %swap3A_716, %swap3A_717], %broadcast_in_dim3A_714 {strides = array<i32>} : memref<512x8x128xf32, #tpu.memory_space<vmem>>, vector<1x1x128xf32>,
      %scan3A_719 = arith.constant 2 : i32
      %scan3A_720 = arith.addi %scan3A_410, %scan3A_719 : i32
      %get3A_721 = arith.index_cast %scan3A_720 : i32 to index
      %get3A_722 = arith.constant 0 : index
      %get3A_723 = arith.constant 0 : index
      %get3A_724 = vector.load %arg19[%get3A_721, %get3A_722, %get3A_723] : memref<512x8x512xf32, #tpu.memory_space<vmem>>, vector<1x8x512xf32>
      %get3A_725 = vector.shape_cast %get3A_724 : vector<1x8x512xf32> to vector<8x512xf32>
      %slice3A_726 = vector.extract_strided_slice %select_n3A_616 {offsets = [0, 0], sizes = [8, 128], strides = [1, 1]} : vector<16x128xf32> to vector<8x128xf32>
      %dot_general3A_727 = arith.constant dense<0.000000e+00> : vector<8x512xf32>
      %dot_general3A_728 = tpu.matmul %slice3A_726, %get3A_111, %dot_general3A_727 {dimension_numbers = #tpu.dot_dimension_numbers<[1], [0], [0], [1], [0, 0, 1, 1], [], []>, transpose_lhs_hint = false} : vector<8x128xf32>, vector<128x512xf32>, vector<8x512xf32> -> vector<8x512xf32>
      %add3A_729 = arith.addf %get3A_725, %dot_general3A_728 : vector<8x512xf32>
      %get3A_730 = arith.index_cast %scan3A_720 : i32 to index
      %get3A_731 = arith.constant 0 : index
      %get3A_732 = arith.constant 0 : index
      %get3A_733 = vector.load %arg20[%get3A_730, %get3A_731, %get3A_732] : memref<512x8x512xf32, #tpu.memory_space<vmem>>, vector<1x8x512xf32>
      %get3A_734 = vector.shape_cast %get3A_733 : vector<1x8x512xf32> to vector<8x512xf32>
      %slice3A_735 = vector.extract_strided_slice %select_n3A_616 {offsets = [8, 0], sizes = [8, 128], strides = [1, 1]} : vector<16x128xf32> to vector<8x128xf32>
      %dot_general3A_736 = arith.constant dense<0.000000e+00> : vector<8x512xf32>
      %dot_general3A_737 = tpu.matmul %slice3A_735, %get3A_114, %dot_general3A_736 {dimension_numbers = #tpu.dot_dimension_numbers<[1], [0], [0], [1], [0, 0, 1, 1], [], []>, transpose_lhs_hint = false} : vector<8x128xf32>, vector<128x512xf32>, vector<8x512xf32> -> vector<8x512xf32>
      %add3A_738 = arith.addf %get3A_734, %dot_general3A_737 : vector<8x512xf32>
      %concatenate3A_739 = tpu.concatenate %add3A_729, %add3A_738 in 0 : vector<8x512xf32>, vector<8x512xf32> -> vector<16x512xf32>
      %slice3A_740 = vector.extract_strided_slice %concatenate3A_739 {offsets = [0, 0], sizes = [16, 128], strides = [1, 1]} : vector<16x512xf32> to vector<16x128xf32>
      %logistic3A_741 = arith.negf %slice3A_740 : vector<16x128xf32>
      %logistic3A_742 = math.exp %logistic3A_741 : vector<16x128xf32>
      %logistic3A_743 = arith.constant 1.000000e+00 : f32
      %logistic3A_744 = vector.broadcast %logistic3A_743 : f32 to vector<16x128xf32>
      %logistic3A_745 = arith.addf %logistic3A_744, %logistic3A_742 : vector<16x128xf32>
      %logistic3A_746 = arith.divf %logistic3A_744, %logistic3A_745 : vector<16x128xf32>
      %slice3A_747 = vector.extract_strided_slice %concatenate3A_739 {offsets = [0, 128], sizes = [16, 128], strides = [1, 1]} : vector<16x512xf32> to vector<16x128xf32>
      %logistic3A_748 = arith.negf %slice3A_747 : vector<16x128xf32>
      %logistic3A_749 = math.exp %logistic3A_748 : vector<16x128xf32>
      %logistic3A_750 = arith.constant 1.000000e+00 : f32
      %logistic3A_751 = vector.broadcast %logistic3A_750 : f32 to vector<16x128xf32>
      %logistic3A_752 = arith.addf %logistic3A_751, %logistic3A_749 : vector<16x128xf32>
      %logistic3A_753 = arith.divf %logistic3A_751, %logistic3A_752 : vector<16x128xf32>
      %slice3A_754 = vector.extract_strided_slice %concatenate3A_739 {offsets = [0, 256], sizes = [16, 128], strides = [1, 1]} : vector<16x512xf32> to vector<16x128xf32>
      %tanh3A_755 = math.tanh %slice3A_754 : vector<16x128xf32>
      %slice3A_756 = vector.extract_strided_slice %concatenate3A_739 {offsets = [0, 384], sizes = [16, 128], strides = [1, 1]} : vector<16x512xf32> to vector<16x128xf32>
      %logistic3A_757 = arith.negf %slice3A_756 : vector<16x128xf32>
      %logistic3A_758 = math.exp %logistic3A_757 : vector<16x128xf32>
      %logistic3A_759 = arith.constant 1.000000e+00 : f32
      %logistic3A_760 = vector.broadcast %logistic3A_759 : f32 to vector<16x128xf32>
      %logistic3A_761 = arith.addf %logistic3A_760, %logistic3A_758 : vector<16x128xf32>
      %logistic3A_762 = arith.divf %logistic3A_760, %logistic3A_761 : vector<16x128xf32>
      %mul3A_763 = arith.mulf %logistic3A_753, %select_n3A_619 : vector<16x128xf32>
      %mul3A_764 = arith.mulf %logistic3A_746, %tanh3A_755 : vector<16x128xf32>
      %add3A_765 = arith.addf %mul3A_763, %mul3A_764 : vector<16x128xf32>
      %tanh3A_766 = math.tanh %add3A_765 : vector<16x128xf32>
      %mul3A_767 = arith.mulf %logistic3A_762, %tanh3A_766 : vector<16x128xf32>
      %lt3A_768 = vector.broadcast %scan3A_720 : i32 to vector<16x1xi32>
      %lt3A_769 = arith.cmpi slt, %lt3A_768, %get3A_117 : vector<16x1xi32>
      %broadcast_in_dim3A_770 = vector.shape_cast %lt3A_769 : vector<16x1xi1> to vector<16x1xi1>
      %broadcast_in_dim3A_771 = vector.broadcast %broadcast_in_dim3A_770 : vector<16x1xi1> to vector<16x128xi1>
      %select_n3A_772 = arith.select %broadcast_in_dim3A_771, %mul3A_767, %select_n3A_616 : vector<16x128xi1>, vector<16x128xf32>
      %broadcast_in_dim3A_773 = vector.shape_cast %lt3A_769 : vector<16x1xi1> to vector<16x1xi1>
      %broadcast_in_dim3A_774 = vector.broadcast %broadcast_in_dim3A_773 : vector<16x1xi1> to vector<16x128xi1>
      %select_n3A_775 = arith.select %broadcast_in_dim3A_774, %add3A_765, %select_n3A_619 : vector<16x128xi1>, vector<16x128xf32>
      %jit3A_776 = arith.constant 0.000000e+00 : f32
      %broadcast_in_dim3A_777 = vector.shape_cast %lt3A_769 : vector<16x1xi1> to vector<16x1xi1>
      %broadcast_in_dim3A_778 = vector.broadcast %broadcast_in_dim3A_777 : vector<16x1xi1> to vector<16x128xi1>
      %broadcast_in_dim3A_779 = vector.broadcast %jit3A_776 : f32 to vector<16x128xf32>
      %select_n3A_780 = arith.select %broadcast_in_dim3A_778, %mul3A_767, %broadcast_in_dim3A_779 : vector<16x128xi1>, vector<16x128xf32>
      %slice3A_781 = vector.extract_strided_slice %select_n3A_780 {offsets = [0, 0], sizes = [8, 128], strides = [1, 1]} : vector<16x128xf32> to vector<8x128xf32>
      %broadcast_in_dim3A_782 = vector.shape_cast %slice3A_781 : vector<8x128xf32> to vector<1x8x128xf32>
      %swap3A_783 = arith.index_cast %scan3A_720 : i32 to index
      %swap3A_784 = arith.constant 0 : index
      %swap3A_785 = arith.constant 0 : index
      %swap3A_786 = vector.load %arg21[%swap3A_783, %swap3A_784, %swap3A_785] : memref<512x8x128xf32, #tpu.memory_space<vmem>>, vector<1x8x128xf32>
      tpu.vector_store %arg21[%swap3A_783, %swap3A_784, %swap3A_785], %broadcast_in_dim3A_782 {strides = array<i32>} : memref<512x8x128xf32, #tpu.memory_space<vmem>>, vector<1x8x128xf32>,
      %lt3A_787 = arith.cmpi slt, %scan3A_720, %get3A_119 : i32
      %sub3A_788 = arith.constant 1 : i32
      %sub3A_789 = arith.subi %get3A_119, %sub3A_788 : i32
      %sub3A_790 = arith.subi %sub3A_789, %scan3A_720 : i32
      %select_n3A_791 = arith.select %lt3A_787, %sub3A_790, %scan3A_720 : i32
      %slice3A_792 = vector.extract_strided_slice %select_n3A_780 {offsets = [8, 0], sizes = [1, 128], strides = [1, 1]} : vector<16x128xf32> to vector<1x128xf32>
      %broadcast_in_dim3A_793 = vector.shape_cast %slice3A_792 : vector<1x128xf32> to vector<1x1x128xf32>
      %swap3A_794 = arith.index_cast %select_n3A_791 : i32 to index
      %swap3A_795 = arith.constant 0 : index
      %swap3A_796 = arith.constant 0 : index
      %swap3A_797 = vector.load %arg22[%swap3A_794, %swap3A_795, %swap3A_796] : memref<512x8x128xf32, #tpu.memory_space<vmem>>, vector<1x1x128xf32>
      tpu.vector_store %arg22[%swap3A_794, %swap3A_795, %swap3A_796], %broadcast_in_dim3A_793 {strides = array<i32>} : memref<512x8x128xf32, #tpu.memory_space<vmem>>, vector<1x1x128xf32>,
      %lt3A_798 = arith.cmpi slt, %scan3A_720, %get3A_121 : i32
      %sub3A_799 = arith.constant 1 : i32
      %sub3A_800 = arith.subi %get3A_121, %sub3A_799 : i32
      %sub3A_801 = arith.subi %sub3A_800, %scan3A_720 : i32
      %select_n3A_802 = arith.select %lt3A_798, %sub3A_801, %scan3A_720 : i32
      %slice3A_803 = vector.extract_strided_slice %select_n3A_780 {offsets = [9, 0], sizes = [1, 128], strides = [1, 1]} : vector<16x128xf32> to vector<1x128xf32>
      %broadcast_in_dim3A_804 = vector.shape_cast %slice3A_803 : vector<1x128xf32> to vector<1x1x128xf32>
      %swap3A_805 = arith.index_cast %select_n3A_802 : i32 to index
      %swap3A_806 = arith.constant 1 : index
      %swap3A_807 = arith.constant 0 : index
      %swap3A_808 = vector.load %arg22[%swap3A_805, %swap3A_806, %swap3A_807] : memref<512x8x128xf32, #tpu.memory_space<vmem>>, vector<1x1x128xf32>
      tpu.vector_store %arg22[%swap3A_805, %swap3A_806, %swap3A_807], %broadcast_in_dim3A_804 {strides = array<i32>} : memref<512x8x128xf32, #tpu.memory_space<vmem>>, vector<1x1x128xf32>,
      %lt3A_809 = arith.cmpi slt, %scan3A_720, %get3A_123 : i32
      %sub3A_810 = arith.constant 1 : i32
      %sub3A_811 = arith.subi %get3A_123, %sub3A_810 : i32
      %sub3A_812 = arith.subi %sub3A_811, %scan3A_720 : i32
      %select_n3A_813 = arith.select %lt3A_809, %sub3A_812, %scan3A_720 : i32
      %slice3A_814 = vector.extract_strided_slice %select_n3A_780 {offsets = [10, 0], sizes = [1, 128], strides = [1, 1]} : vector<16x128xf32> to vector<1x128xf32>
      %broadcast_in_dim3A_815 = vector.shape_cast %slice3A_814 : vector<1x128xf32> to vector<1x1x128xf32>
      %swap3A_816 = arith.index_cast %select_n3A_813 : i32 to index
      %swap3A_817 = arith.constant 2 : index
      %swap3A_818 = arith.constant 0 : index
      %swap3A_819 = vector.load %arg22[%swap3A_816, %swap3A_817, %swap3A_818] : memref<512x8x128xf32, #tpu.memory_space<vmem>>, vector<1x1x128xf32>
      tpu.vector_store %arg22[%swap3A_816, %swap3A_817, %swap3A_818], %broadcast_in_dim3A_815 {strides = array<i32>} : memref<512x8x128xf32, #tpu.memory_space<vmem>>, vector<1x1x128xf32>,
      %lt3A_820 = arith.cmpi slt, %scan3A_720, %get3A_125 : i32
      %sub3A_821 = arith.constant 1 : i32
      %sub3A_822 = arith.subi %get3A_125, %sub3A_821 : i32
      %sub3A_823 = arith.subi %sub3A_822, %scan3A_720 : i32
      %select_n3A_824 = arith.select %lt3A_820, %sub3A_823, %scan3A_720 : i32
      %slice3A_825 = vector.extract_strided_slice %select_n3A_780 {offsets = [11, 0], sizes = [1, 128], strides = [1, 1]} : vector<16x128xf32> to vector<1x128xf32>
      %broadcast_in_dim3A_826 = vector.shape_cast %slice3A_825 : vector<1x128xf32> to vector<1x1x128xf32>
      %swap3A_827 = arith.index_cast %select_n3A_824 : i32 to index
      %swap3A_828 = arith.constant 3 : index
      %swap3A_829 = arith.constant 0 : index
      %swap3A_830 = vector.load %arg22[%swap3A_827, %swap3A_828, %swap3A_829] : memref<512x8x128xf32, #tpu.memory_space<vmem>>, vector<1x1x128xf32>
      tpu.vector_store %arg22[%swap3A_827, %swap3A_828, %swap3A_829], %broadcast_in_dim3A_826 {strides = array<i32>} : memref<512x8x128xf32, #tpu.memory_space<vmem>>, vector<1x1x128xf32>,
      %lt3A_831 = arith.cmpi slt, %scan3A_720, %get3A_127 : i32
      %sub3A_832 = arith.constant 1 : i32
      %sub3A_833 = arith.subi %get3A_127, %sub3A_832 : i32
      %sub3A_834 = arith.subi %sub3A_833, %scan3A_720 : i32
      %select_n3A_835 = arith.select %lt3A_831, %sub3A_834, %scan3A_720 : i32
      %slice3A_836 = vector.extract_strided_slice %select_n3A_780 {offsets = [12, 0], sizes = [1, 128], strides = [1, 1]} : vector<16x128xf32> to vector<1x128xf32>
      %broadcast_in_dim3A_837 = vector.shape_cast %slice3A_836 : vector<1x128xf32> to vector<1x1x128xf32>
      %swap3A_838 = arith.index_cast %select_n3A_835 : i32 to index
      %swap3A_839 = arith.constant 4 : index
      %swap3A_840 = arith.constant 0 : index
      %swap3A_841 = vector.load %arg22[%swap3A_838, %swap3A_839, %swap3A_840] : memref<512x8x128xf32, #tpu.memory_space<vmem>>, vector<1x1x128xf32>
      tpu.vector_store %arg22[%swap3A_838, %swap3A_839, %swap3A_840], %broadcast_in_dim3A_837 {strides = array<i32>} : memref<512x8x128xf32, #tpu.memory_space<vmem>>, vector<1x1x128xf32>,
      %lt3A_842 = arith.cmpi slt, %scan3A_720, %get3A_129 : i32
      %sub3A_843 = arith.constant 1 : i32
      %sub3A_844 = arith.subi %get3A_129, %sub3A_843 : i32
      %sub3A_845 = arith.subi %sub3A_844, %scan3A_720 : i32
      %select_n3A_846 = arith.select %lt3A_842, %sub3A_845, %scan3A_720 : i32
      %slice3A_847 = vector.extract_strided_slice %select_n3A_780 {offsets = [13, 0], sizes = [1, 128], strides = [1, 1]} : vector<16x128xf32> to vector<1x128xf32>
      %broadcast_in_dim3A_848 = vector.shape_cast %slice3A_847 : vector<1x128xf32> to vector<1x1x128xf32>
      %swap3A_849 = arith.index_cast %select_n3A_846 : i32 to index
      %swap3A_850 = arith.constant 5 : index
      %swap3A_851 = arith.constant 0 : index
      %swap3A_852 = vector.load %arg22[%swap3A_849, %swap3A_850, %swap3A_851] : memref<512x8x128xf32, #tpu.memory_space<vmem>>, vector<1x1x128xf32>
      tpu.vector_store %arg22[%swap3A_849, %swap3A_850, %swap3A_851], %broadcast_in_dim3A_848 {strides = array<i32>} : memref<512x8x128xf32, #tpu.memory_space<vmem>>, vector<1x1x128xf32>,
      %lt3A_853 = arith.cmpi slt, %scan3A_720, %get3A_131 : i32
      %sub3A_854 = arith.constant 1 : i32
      %sub3A_855 = arith.subi %get3A_131, %sub3A_854 : i32
      %sub3A_856 = arith.subi %sub3A_855, %scan3A_720 : i32
      %select_n3A_857 = arith.select %lt3A_853, %sub3A_856, %scan3A_720 : i32
      %slice3A_858 = vector.extract_strided_slice %select_n3A_780 {offsets = [14, 0], sizes = [1, 128], strides = [1, 1]} : vector<16x128xf32> to vector<1x128xf32>
      %broadcast_in_dim3A_859 = vector.shape_cast %slice3A_858 : vector<1x128xf32> to vector<1x1x128xf32>
      %swap3A_860 = arith.index_cast %select_n3A_857 : i32 to index
      %swap3A_861 = arith.constant 6 : index
      %swap3A_862 = arith.constant 0 : index
      %swap3A_863 = vector.load %arg22[%swap3A_860, %swap3A_861, %swap3A_862] : memref<512x8x128xf32, #tpu.memory_space<vmem>>, vector<1x1x128xf32>
      tpu.vector_store %arg22[%swap3A_860, %swap3A_861, %swap3A_862], %broadcast_in_dim3A_859 {strides = array<i32>} : memref<512x8x128xf32, #tpu.memory_space<vmem>>, vector<1x1x128xf32>,
      %lt3A_864 = arith.cmpi slt, %scan3A_720, %get3A_133 : i32
      %sub3A_865 = arith.constant 1 : i32
      %sub3A_866 = arith.subi %get3A_133, %sub3A_865 : i32
      %sub3A_867 = arith.subi %sub3A_866, %scan3A_720 : i32
      %select_n3A_868 = arith.select %lt3A_864, %sub3A_867, %scan3A_720 : i32
      %slice3A_869 = vector.extract_strided_slice %select_n3A_780 {offsets = [15, 0], sizes = [1, 128], strides = [1, 1]} : vector<16x128xf32> to vector<1x128xf32>
      %broadcast_in_dim3A_870 = vector.shape_cast %slice3A_869 : vector<1x128xf32> to vector<1x1x128xf32>
      %swap3A_871 = arith.index_cast %select_n3A_868 : i32 to index
      %swap3A_872 = arith.constant 7 : index
      %swap3A_873 = arith.constant 0 : index
      %swap3A_874 = vector.load %arg22[%swap3A_871, %swap3A_872, %swap3A_873] : memref<512x8x128xf32, #tpu.memory_space<vmem>>, vector<1x1x128xf32>
      tpu.vector_store %arg22[%swap3A_871, %swap3A_872, %swap3A_873], %broadcast_in_dim3A_870 {strides = array<i32>} : memref<512x8x128xf32, #tpu.memory_space<vmem>>, vector<1x1x128xf32>,
      %scan3A_875 = arith.constant 3 : i32
      %scan3A_876 = arith.addi %scan3A_410, %scan3A_875 : i32
      %get3A_877 = arith.index_cast %scan3A_876 : i32 to index
      %get3A_878 = arith.constant 0 : index
      %get3A_879 = arith.constant 0 : index
      %get3A_880 = vector.load %arg19[%get3A_877, %get3A_878, %get3A_879] : memref<512x8x512xf32, #tpu.memory_space<vmem>>, vector<1x8x512xf32>
      %get3A_881 = vector.shape_cast %get3A_880 : vector<1x8x512xf32> to vector<8x512xf32>
      %slice3A_882 = vector.extract_strided_slice %select_n3A_772 {offsets = [0, 0], sizes = [8, 128], strides = [1, 1]} : vector<16x128xf32> to vector<8x128xf32>
      %dot_general3A_883 = arith.constant dense<0.000000e+00> : vector<8x512xf32>
      %dot_general3A_884 = tpu.matmul %slice3A_882, %get3A_111, %dot_general3A_883 {dimension_numbers = #tpu.dot_dimension_numbers<[1], [0], [0], [1], [0, 0, 1, 1], [], []>, transpose_lhs_hint = false} : vector<8x128xf32>, vector<128x512xf32>, vector<8x512xf32> -> vector<8x512xf32>
      %add3A_885 = arith.addf %get3A_881, %dot_general3A_884 : vector<8x512xf32>
      %get3A_886 = arith.index_cast %scan3A_876 : i32 to index
      %get3A_887 = arith.constant 0 : index
      %get3A_888 = arith.constant 0 : index
      %get3A_889 = vector.load %arg20[%get3A_886, %get3A_887, %get3A_888] : memref<512x8x512xf32, #tpu.memory_space<vmem>>, vector<1x8x512xf32>
      %get3A_890 = vector.shape_cast %get3A_889 : vector<1x8x512xf32> to vector<8x512xf32>
      %slice3A_891 = vector.extract_strided_slice %select_n3A_772 {offsets = [8, 0], sizes = [8, 128], strides = [1, 1]} : vector<16x128xf32> to vector<8x128xf32>
      %dot_general3A_892 = arith.constant dense<0.000000e+00> : vector<8x512xf32>
      %dot_general3A_893 = tpu.matmul %slice3A_891, %get3A_114, %dot_general3A_892 {dimension_numbers = #tpu.dot_dimension_numbers<[1], [0], [0], [1], [0, 0, 1, 1], [], []>, transpose_lhs_hint = false} : vector<8x128xf32>, vector<128x512xf32>, vector<8x512xf32> -> vector<8x512xf32>
      %add3A_894 = arith.addf %get3A_890, %dot_general3A_893 : vector<8x512xf32>
      %concatenate3A_895 = tpu.concatenate %add3A_885, %add3A_894 in 0 : vector<8x512xf32>, vector<8x512xf32> -> vector<16x512xf32>
      %slice3A_896 = vector.extract_strided_slice %concatenate3A_895 {offsets = [0, 0], sizes = [16, 128], strides = [1, 1]} : vector<16x512xf32> to vector<16x128xf32>
      %logistic3A_897 = arith.negf %slice3A_896 : vector<16x128xf32>
      %logistic3A_898 = math.exp %logistic3A_897 : vector<16x128xf32>
      %logistic3A_899 = arith.constant 1.000000e+00 : f32
      %logistic3A_900 = vector.broadcast %logistic3A_899 : f32 to vector<16x128xf32>
      %logistic3A_901 = arith.addf %logistic3A_900, %logistic3A_898 : vector<16x128xf32>
      %logistic3A_902 = arith.divf %logistic3A_900, %logistic3A_901 : vector<16x128xf32>
      %slice3A_903 = vector.extract_strided_slice %concatenate3A_895 {offsets = [0, 128], sizes = [16, 128], strides = [1, 1]} : vector<16x512xf32> to vector<16x128xf32>
      %logistic3A_904 = arith.negf %slice3A_903 : vector<16x128xf32>
      %logistic3A_905 = math.exp %logistic3A_904 : vector<16x128xf32>
      %logistic3A_906 = arith.constant 1.000000e+00 : f32
      %logistic3A_907 = vector.broadcast %logistic3A_906 : f32 to vector<16x128xf32>
      %logistic3A_908 = arith.addf %logistic3A_907, %logistic3A_905 : vector<16x128xf32>
      %logistic3A_909 = arith.divf %logistic3A_907, %logistic3A_908 : vector<16x128xf32>
      %slice3A_910 = vector.extract_strided_slice %concatenate3A_895 {offsets = [0, 256], sizes = [16, 128], strides = [1, 1]} : vector<16x512xf32> to vector<16x128xf32>
      %tanh3A_911 = math.tanh %slice3A_910 : vector<16x128xf32>
      %slice3A_912 = vector.extract_strided_slice %concatenate3A_895 {offsets = [0, 384], sizes = [16, 128], strides = [1, 1]} : vector<16x512xf32> to vector<16x128xf32>
      %logistic3A_913 = arith.negf %slice3A_912 : vector<16x128xf32>
      %logistic3A_914 = math.exp %logistic3A_913 : vector<16x128xf32>
      %logistic3A_915 = arith.constant 1.000000e+00 : f32
      %logistic3A_916 = vector.broadcast %logistic3A_915 : f32 to vector<16x128xf32>
      %logistic3A_917 = arith.addf %logistic3A_916, %logistic3A_914 : vector<16x128xf32>
      %logistic3A_918 = arith.divf %logistic3A_916, %logistic3A_917 : vector<16x128xf32>
      %mul3A_919 = arith.mulf %logistic3A_909, %select_n3A_775 : vector<16x128xf32>
      %mul3A_920 = arith.mulf %logistic3A_902, %tanh3A_911 : vector<16x128xf32>
      %add3A_921 = arith.addf %mul3A_919, %mul3A_920 : vector<16x128xf32>
      %tanh3A_922 = math.tanh %add3A_921 : vector<16x128xf32>
      %mul3A_923 = arith.mulf %logistic3A_918, %tanh3A_922 : vector<16x128xf32>
      %lt3A_924 = vector.broadcast %scan3A_876 : i32 to vector<16x1xi32>
      %lt3A_925 = arith.cmpi slt, %lt3A_924, %get3A_117 : vector<16x1xi32>
      %broadcast_in_dim3A_926 = vector.shape_cast %lt3A_925 : vector<16x1xi1> to vector<16x1xi1>
      %broadcast_in_dim3A_927 = vector.broadcast %broadcast_in_dim3A_926 : vector<16x1xi1> to vector<16x128xi1>
      %select_n3A_928 = arith.select %broadcast_in_dim3A_927, %mul3A_923, %select_n3A_772 : vector<16x128xi1>, vector<16x128xf32>
      %broadcast_in_dim3A_929 = vector.shape_cast %lt3A_925 : vector<16x1xi1> to vector<16x1xi1>
      %broadcast_in_dim3A_930 = vector.broadcast %broadcast_in_dim3A_929 : vector<16x1xi1> to vector<16x128xi1>
      %select_n3A_931 = arith.select %broadcast_in_dim3A_930, %add3A_921, %select_n3A_775 : vector<16x128xi1>, vector<16x128xf32>
      %jit3A_932 = arith.constant 0.000000e+00 : f32
      %broadcast_in_dim3A_933 = vector.shape_cast %lt3A_925 : vector<16x1xi1> to vector<16x1xi1>
      %broadcast_in_dim3A_934 = vector.broadcast %broadcast_in_dim3A_933 : vector<16x1xi1> to vector<16x128xi1>
      %broadcast_in_dim3A_935 = vector.broadcast %jit3A_932 : f32 to vector<16x128xf32>
      %select_n3A_936 = arith.select %broadcast_in_dim3A_934, %mul3A_923, %broadcast_in_dim3A_935 : vector<16x128xi1>, vector<16x128xf32>
      %slice3A_937 = vector.extract_strided_slice %select_n3A_936 {offsets = [0, 0], sizes = [8, 128], strides = [1, 1]} : vector<16x128xf32> to vector<8x128xf32>
      %broadcast_in_dim3A_938 = vector.shape_cast %slice3A_937 : vector<8x128xf32> to vector<1x8x128xf32>
      %swap3A_939 = arith.index_cast %scan3A_876 : i32 to index
      %swap3A_940 = arith.constant 0 : index
      %swap3A_941 = arith.constant 0 : index
      %swap3A_942 = vector.load %arg21[%swap3A_939, %swap3A_940, %swap3A_941] : memref<512x8x128xf32, #tpu.memory_space<vmem>>, vector<1x8x128xf32>
      tpu.vector_store %arg21[%swap3A_939, %swap3A_940, %swap3A_941], %broadcast_in_dim3A_938 {strides = array<i32>} : memref<512x8x128xf32, #tpu.memory_space<vmem>>, vector<1x8x128xf32>,
      %lt3A_943 = arith.cmpi slt, %scan3A_876, %get3A_119 : i32
      %sub3A_944 = arith.constant 1 : i32
      %sub3A_945 = arith.subi %get3A_119, %sub3A_944 : i32
      %sub3A_946 = arith.subi %sub3A_945, %scan3A_876 : i32
      %select_n3A_947 = arith.select %lt3A_943, %sub3A_946, %scan3A_876 : i32
      %slice3A_948 = vector.extract_strided_slice %select_n3A_936 {offsets = [8, 0], sizes = [1, 128], strides = [1, 1]} : vector<16x128xf32> to vector<1x128xf32>
      %broadcast_in_dim3A_949 = vector.shape_cast %slice3A_948 : vector<1x128xf32> to vector<1x1x128xf32>
      %swap3A_950 = arith.index_cast %select_n3A_947 : i32 to index
      %swap3A_951 = arith.constant 0 : index
      %swap3A_952 = arith.constant 0 : index
      %swap3A_953 = vector.load %arg22[%swap3A_950, %swap3A_951, %swap3A_952] : memref<512x8x128xf32, #tpu.memory_space<vmem>>, vector<1x1x128xf32>
      tpu.vector_store %arg22[%swap3A_950, %swap3A_951, %swap3A_952], %broadcast_in_dim3A_949 {strides = array<i32>} : memref<512x8x128xf32, #tpu.memory_space<vmem>>, vector<1x1x128xf32>,
      %lt3A_954 = arith.cmpi slt, %scan3A_876, %get3A_121 : i32
      %sub3A_955 = arith.constant 1 : i32
      %sub3A_956 = arith.subi %get3A_121, %sub3A_955 : i32
      %sub3A_957 = arith.subi %sub3A_956, %scan3A_876 : i32
      %select_n3A_958 = arith.select %lt3A_954, %sub3A_957, %scan3A_876 : i32
      %slice3A_959 = vector.extract_strided_slice %select_n3A_936 {offsets = [9, 0], sizes = [1, 128], strides = [1, 1]} : vector<16x128xf32> to vector<1x128xf32>
      %broadcast_in_dim3A_960 = vector.shape_cast %slice3A_959 : vector<1x128xf32> to vector<1x1x128xf32>
      %swap3A_961 = arith.index_cast %select_n3A_958 : i32 to index
      %swap3A_962 = arith.constant 1 : index
      %swap3A_963 = arith.constant 0 : index
      %swap3A_964 = vector.load %arg22[%swap3A_961, %swap3A_962, %swap3A_963] : memref<512x8x128xf32, #tpu.memory_space<vmem>>, vector<1x1x128xf32>
      tpu.vector_store %arg22[%swap3A_961, %swap3A_962, %swap3A_963], %broadcast_in_dim3A_960 {strides = array<i32>} : memref<512x8x128xf32, #tpu.memory_space<vmem>>, vector<1x1x128xf32>,
      %lt3A_965 = arith.cmpi slt, %scan3A_876, %get3A_123 : i32
      %sub3A_966 = arith.constant 1 : i32
      %sub3A_967 = arith.subi %get3A_123, %sub3A_966 : i32
      %sub3A_968 = arith.subi %sub3A_967, %scan3A_876 : i32
      %select_n3A_969 = arith.select %lt3A_965, %sub3A_968, %scan3A_876 : i32
      %slice3A_970 = vector.extract_strided_slice %select_n3A_936 {offsets = [10, 0], sizes = [1, 128], strides = [1, 1]} : vector<16x128xf32> to vector<1x128xf32>
      %broadcast_in_dim3A_971 = vector.shape_cast %slice3A_970 : vector<1x128xf32> to vector<1x1x128xf32>
      %swap3A_972 = arith.index_cast %select_n3A_969 : i32 to index
      %swap3A_973 = arith.constant 2 : index
      %swap3A_974 = arith.constant 0 : index
      %swap3A_975 = vector.load %arg22[%swap3A_972, %swap3A_973, %swap3A_974] : memref<512x8x128xf32, #tpu.memory_space<vmem>>, vector<1x1x128xf32>
      tpu.vector_store %arg22[%swap3A_972, %swap3A_973, %swap3A_974], %broadcast_in_dim3A_971 {strides = array<i32>} : memref<512x8x128xf32, #tpu.memory_space<vmem>>, vector<1x1x128xf32>,
      %lt3A_976 = arith.cmpi slt, %scan3A_876, %get3A_125 : i32
      %sub3A_977 = arith.constant 1 : i32
      %sub3A_978 = arith.subi %get3A_125, %sub3A_977 : i32
      %sub3A_979 = arith.subi %sub3A_978, %scan3A_876 : i32
      %select_n3A_980 = arith.select %lt3A_976, %sub3A_979, %scan3A_876 : i32
      %slice3A_981 = vector.extract_strided_slice %select_n3A_936 {offsets = [11, 0], sizes = [1, 128], strides = [1, 1]} : vector<16x128xf32> to vector<1x128xf32>
      %broadcast_in_dim3A_982 = vector.shape_cast %slice3A_981 : vector<1x128xf32> to vector<1x1x128xf32>
      %swap3A_983 = arith.index_cast %select_n3A_980 : i32 to index
      %swap3A_984 = arith.constant 3 : index
      %swap3A_985 = arith.constant 0 : index
      %swap3A_986 = vector.load %arg22[%swap3A_983, %swap3A_984, %swap3A_985] : memref<512x8x128xf32, #tpu.memory_space<vmem>>, vector<1x1x128xf32>
      tpu.vector_store %arg22[%swap3A_983, %swap3A_984, %swap3A_985], %broadcast_in_dim3A_982 {strides = array<i32>} : memref<512x8x128xf32, #tpu.memory_space<vmem>>, vector<1x1x128xf32>,
      %lt3A_987 = arith.cmpi slt, %scan3A_876, %get3A_127 : i32
      %sub3A_988 = arith.constant 1 : i32
      %sub3A_989 = arith.subi %get3A_127, %sub3A_988 : i32
      %sub3A_990 = arith.subi %sub3A_989, %scan3A_876 : i32
      %select_n3A_991 = arith.select %lt3A_987, %sub3A_990, %scan3A_876 : i32
      %slice3A_992 = vector.extract_strided_slice %select_n3A_936 {offsets = [12, 0], sizes = [1, 128], strides = [1, 1]} : vector<16x128xf32> to vector<1x128xf32>
      %broadcast_in_dim3A_993 = vector.shape_cast %slice3A_992 : vector<1x128xf32> to vector<1x1x128xf32>
      %swap3A_994 = arith.index_cast %select_n3A_991 : i32 to index
      %swap3A_995 = arith.constant 4 : index
      %swap3A_996 = arith.constant 0 : index
      %swap3A_997 = vector.load %arg22[%swap3A_994, %swap3A_995, %swap3A_996] : memref<512x8x128xf32, #tpu.memory_space<vmem>>, vector<1x1x128xf32>
      tpu.vector_store %arg22[%swap3A_994, %swap3A_995, %swap3A_996], %broadcast_in_dim3A_993 {strides = array<i32>} : memref<512x8x128xf32, #tpu.memory_space<vmem>>, vector<1x1x128xf32>,
      %lt3A_998 = arith.cmpi slt, %scan3A_876, %get3A_129 : i32
      %sub3A_999 = arith.constant 1 : i32
      %sub3A_1000 = arith.subi %get3A_129, %sub3A_999 : i32
      %sub3A_1001 = arith.subi %sub3A_1000, %scan3A_876 : i32
      %select_n3A_1002 = arith.select %lt3A_998, %sub3A_1001, %scan3A_876 : i32
      %slice3A_1003 = vector.extract_strided_slice %select_n3A_936 {offsets = [13, 0], sizes = [1, 128], strides = [1, 1]} : vector<16x128xf32> to vector<1x128xf32>
      %broadcast_in_dim3A_1004 = vector.shape_cast %slice3A_1003 : vector<1x128xf32> to vector<1x1x128xf32>
      %swap3A_1005 = arith.index_cast %select_n3A_1002 : i32 to index
      %swap3A_1006 = arith.constant 5 : index
      %swap3A_1007 = arith.constant 0 : index
      %swap3A_1008 = vector.load %arg22[%swap3A_1005, %swap3A_1006, %swap3A_1007] : memref<512x8x128xf32, #tpu.memory_space<vmem>>, vector<1x1x128xf32>
      tpu.vector_store %arg22[%swap3A_1005, %swap3A_1006, %swap3A_1007], %broadcast_in_dim3A_1004 {strides = array<i32>} : memref<512x8x128xf32, #tpu.memory_space<vmem>>, vector<1x1x128xf32>,
      %lt3A_1009 = arith.cmpi slt, %scan3A_876, %get3A_131 : i32
      %sub3A_1010 = arith.constant 1 : i32
      %sub3A_1011 = arith.subi %get3A_131, %sub3A_1010 : i32
      %sub3A_1012 = arith.subi %sub3A_1011, %scan3A_876 : i32
      %select_n3A_1013 = arith.select %lt3A_1009, %sub3A_1012, %scan3A_876 : i32
      %slice3A_1014 = vector.extract_strided_slice %select_n3A_936 {offsets = [14, 0], sizes = [1, 128], strides = [1, 1]} : vector<16x128xf32> to vector<1x128xf32>
      %broadcast_in_dim3A_1015 = vector.shape_cast %slice3A_1014 : vector<1x128xf32> to vector<1x1x128xf32>
      %swap3A_1016 = arith.index_cast %select_n3A_1013 : i32 to index
      %swap3A_1017 = arith.constant 6 : index
      %swap3A_1018 = arith.constant 0 : index
      %swap3A_1019 = vector.load %arg22[%swap3A_1016, %swap3A_1017, %swap3A_1018] : memref<512x8x128xf32, #tpu.memory_space<vmem>>, vector<1x1x128xf32>
      tpu.vector_store %arg22[%swap3A_1016, %swap3A_1017, %swap3A_1018], %broadcast_in_dim3A_1015 {strides = array<i32>} : memref<512x8x128xf32, #tpu.memory_space<vmem>>, vector<1x1x128xf32>,
      %lt3A_1020 = arith.cmpi slt, %scan3A_876, %get3A_133 : i32
      %sub3A_1021 = arith.constant 1 : i32
      %sub3A_1022 = arith.subi %get3A_133, %sub3A_1021 : i32
      %sub3A_1023 = arith.subi %sub3A_1022, %scan3A_876 : i32
      %select_n3A_1024 = arith.select %lt3A_1020, %sub3A_1023, %scan3A_876 : i32
      %slice3A_1025 = vector.extract_strided_slice %select_n3A_936 {offsets = [15, 0], sizes = [1, 128], strides = [1, 1]} : vector<16x128xf32> to vector<1x128xf32>
      %broadcast_in_dim3A_1026 = vector.shape_cast %slice3A_1025 : vector<1x128xf32> to vector<1x1x128xf32>
      %swap3A_1027 = arith.index_cast %select_n3A_1024 : i32 to index
      %swap3A_1028 = arith.constant 7 : index
      %swap3A_1029 = arith.constant 0 : index
      %swap3A_1030 = vector.load %arg22[%swap3A_1027, %swap3A_1028, %swap3A_1029] : memref<512x8x128xf32, #tpu.memory_space<vmem>>, vector<1x1x128xf32>
      tpu.vector_store %arg22[%swap3A_1027, %swap3A_1028, %swap3A_1029], %broadcast_in_dim3A_1026 {strides = array<i32>} : memref<512x8x128xf32, #tpu.memory_space<vmem>>, vector<1x1x128xf32>,
      scf.yield %select_n3A_928, %select_n3A_931 : vector<16x128xf32>, vector<16x128xf32>
    }
    %scan3A_159 = arith.constant 512 : i32
    %get3A_160 = arith.constant 0 : index
    %get3A_161 = arith.constant 0 : index
    %get3A_162 = vector.load %arg9[%get3A_160, %get3A_161] : memref<10x256xf32, #tpu.memory_space<vmem>>, vector<10x128xf32>
    %get3A_163 = arith.constant 0 : index
    %get3A_164 = arith.constant 128 : index
    %get3A_165 = vector.load %arg9[%get3A_163, %get3A_164] : memref<10x256xf32, #tpu.memory_space<vmem>>, vector<10x128xf32>
    %get3A_166 = arith.constant 0 : index
    %get3A_167 = vector.load %arg10[%get3A_166] : memref<10xf32, #tpu.memory_space<vmem>>, vector<10xf32>
    %reshape3A_168 = vector.shape_cast %get3A_167 : vector<10xf32> to vector<1x10xf32>
    %get3A_169 = arith.constant 0 : index
    %get3A_170 = arith.constant 0 : index
    %get3A_171 = arith.constant 0 : index
    %get3A_172 = vector.load %arg21[%get3A_169, %get3A_170, %get3A_171] : memref<512x8x128xf32, #tpu.memory_space<vmem>>, vector<128x8x128xf32>
    %reshape3A_173 = vector.shape_cast %get3A_172 : vector<128x8x128xf32> to vector<1024x128xf32>
    %get3A_174 = arith.constant 0 : index
    %get3A_175 = arith.constant 0 : index
    %get3A_176 = arith.constant 0 : index
    %get3A_177 = vector.load %arg22[%get3A_174, %get3A_175, %get3A_176] : memref<512x8x128xf32, #tpu.memory_space<vmem>>, vector<128x8x128xf32>
    %reshape3A_178 = vector.shape_cast %get3A_177 : vector<128x8x128xf32> to vector<1024x128xf32>
    %dot_general3A_179 = arith.constant dense<0.000000e+00> : vector<1024x10xf32>
    %dot_general3A_180 = tpu.matmul %reshape3A_173, %get3A_162, %dot_general3A_179 {dimension_numbers = #tpu.dot_dimension_numbers<[1], [1], [0], [0], [0, 0, 1, 0], [], []>, transpose_lhs_hint = false} : vector<1024x128xf32>, vector<10x128xf32>, vector<1024x10xf32> -> vector<1024x10xf32>
    %dot_general3A_181 = arith.constant dense<0.000000e+00> : vector<1024x10xf32>
    %dot_general3A_182 = tpu.matmul %reshape3A_178, %get3A_165, %dot_general3A_181 {dimension_numbers = #tpu.dot_dimension_numbers<[1], [1], [0], [0], [0, 0, 1, 0], [], []>, transpose_lhs_hint = false} : vector<1024x128xf32>, vector<10x128xf32>, vector<1024x10xf32> -> vector<1024x10xf32>
    %add3A_183 = arith.addf %dot_general3A_180, %dot_general3A_182 : vector<1024x10xf32>
    %add3A_184 = vector.broadcast %reshape3A_168 : vector<1x10xf32> to vector<1024x10xf32>
    %add3A_185 = arith.addf %add3A_183, %add3A_184 : vector<1024x10xf32>
    %reshape3A_186 = vector.shape_cast %add3A_185 : vector<1024x10xf32> to vector<128x8x10xf32>
    %transpose3A = tpu.transpose %reshape3A_186, [0, 2, 1] : vector<128x8x10xf32> -> vector<128x10x8xf32>
    %swap3A_187 = arith.constant 0 : index
    %swap3A_188 = arith.constant 0 : index
    %swap3A_189 = arith.constant 0 : index
    %swap3A_190 = vector.load %arg23[%swap3A_187, %swap3A_188, %swap3A_189] : memref<512x10x8xf32, #tpu.memory_space<vmem>>, vector<128x10x8xf32>
    tpu.vector_store %arg23[%swap3A_187, %swap3A_188, %swap3A_189], %transpose3A {strides = array<i32>} : memref<512x10x8xf32, #tpu.memory_space<vmem>>, vector<128x10x8xf32>,
    %get3A_191 = arith.constant 128 : index
    %get3A_192 = arith.constant 0 : index
    %get3A_193 = arith.constant 0 : index
    %get3A_194 = vector.load %arg21[%get3A_191, %get3A_192, %get3A_193] : memref<512x8x128xf32, #tpu.memory_space<vmem>>, vector<128x8x128xf32>
    %reshape3A_195 = vector.shape_cast %get3A_194 : vector<128x8x128xf32> to vector<1024x128xf32>
    %get3A_196 = arith.constant 128 : index
    %get3A_197 = arith.constant 0 : index
    %get3A_198 = arith.constant 0 : index
    %get3A_199 = vector.load %arg22[%get3A_196, %get3A_197, %get3A_198] : memref<512x8x128xf32, #tpu.memory_space<vmem>>, vector<128x8x128xf32>
    %reshape3A_200 = vector.shape_cast %get3A_199 : vector<128x8x128xf32> to vector<1024x128xf32>
    %dot_general3A_201 = arith.constant dense<0.000000e+00> : vector<1024x10xf32>
    %dot_general3A_202 = tpu.matmul %reshape3A_195, %get3A_162, %dot_general3A_201 {dimension_numbers = #tpu.dot_dimension_numbers<[1], [1], [0], [0], [0, 0, 1, 0], [], []>, transpose_lhs_hint = false} : vector<1024x128xf32>, vector<10x128xf32>, vector<1024x10xf32> -> vector<1024x10xf32>
    %dot_general3A_203 = arith.constant dense<0.000000e+00> : vector<1024x10xf32>
    %dot_general3A_204 = tpu.matmul %reshape3A_200, %get3A_165, %dot_general3A_203 {dimension_numbers = #tpu.dot_dimension_numbers<[1], [1], [0], [0], [0, 0, 1, 0], [], []>, transpose_lhs_hint = false} : vector<1024x128xf32>, vector<10x128xf32>, vector<1024x10xf32> -> vector<1024x10xf32>
    %add3A_205 = arith.addf %dot_general3A_202, %dot_general3A_204 : vector<1024x10xf32>
    %add3A_206 = vector.broadcast %reshape3A_168 : vector<1x10xf32> to vector<1024x10xf32>
    %add3A_207 = arith.addf %add3A_205, %add3A_206 : vector<1024x10xf32>
    %reshape3A_208 = vector.shape_cast %add3A_207 : vector<1024x10xf32> to vector<128x8x10xf32>
    %transpose3A_209 = tpu.transpose %reshape3A_208, [0, 2, 1] : vector<128x8x10xf32> -> vector<128x10x8xf32>
    %swap3A_210 = arith.constant 128 : index
    %swap3A_211 = arith.constant 0 : index
    %swap3A_212 = arith.constant 0 : index
    %swap3A_213 = vector.load %arg23[%swap3A_210, %swap3A_211, %swap3A_212] : memref<512x10x8xf32, #tpu.memory_space<vmem>>, vector<128x10x8xf32>
    tpu.vector_store %arg23[%swap3A_210, %swap3A_211, %swap3A_212], %transpose3A_209 {strides = array<i32>} : memref<512x10x8xf32, #tpu.memory_space<vmem>>, vector<128x10x8xf32>,
    %get3A_214 = arith.constant 256 : index
    %get3A_215 = arith.constant 0 : index
    %get3A_216 = arith.constant 0 : index
    %get3A_217 = vector.load %arg21[%get3A_214, %get3A_215, %get3A_216] : memref<512x8x128xf32, #tpu.memory_space<vmem>>, vector<128x8x128xf32>
    %reshape3A_218 = vector.shape_cast %get3A_217 : vector<128x8x128xf32> to vector<1024x128xf32>
    %get3A_219 = arith.constant 256 : index
    %get3A_220 = arith.constant 0 : index
    %get3A_221 = arith.constant 0 : index
    %get3A_222 = vector.load %arg22[%get3A_219, %get3A_220, %get3A_221] : memref<512x8x128xf32, #tpu.memory_space<vmem>>, vector<128x8x128xf32>
    %reshape3A_223 = vector.shape_cast %get3A_222 : vector<128x8x128xf32> to vector<1024x128xf32>
    %dot_general3A_224 = arith.constant dense<0.000000e+00> : vector<1024x10xf32>
    %dot_general3A_225 = tpu.matmul %reshape3A_218, %get3A_162, %dot_general3A_224 {dimension_numbers = #tpu.dot_dimension_numbers<[1], [1], [0], [0], [0, 0, 1, 0], [], []>, transpose_lhs_hint = false} : vector<1024x128xf32>, vector<10x128xf32>, vector<1024x10xf32> -> vector<1024x10xf32>
    %dot_general3A_226 = arith.constant dense<0.000000e+00> : vector<1024x10xf32>
    %dot_general3A_227 = tpu.matmul %reshape3A_223, %get3A_165, %dot_general3A_226 {dimension_numbers = #tpu.dot_dimension_numbers<[1], [1], [0], [0], [0, 0, 1, 0], [], []>, transpose_lhs_hint = false} : vector<1024x128xf32>, vector<10x128xf32>, vector<1024x10xf32> -> vector<1024x10xf32>
    %add3A_228 = arith.addf %dot_general3A_225, %dot_general3A_227 : vector<1024x10xf32>
    %add3A_229 = vector.broadcast %reshape3A_168 : vector<1x10xf32> to vector<1024x10xf32>
    %add3A_230 = arith.addf %add3A_228, %add3A_229 : vector<1024x10xf32>
    %reshape3A_231 = vector.shape_cast %add3A_230 : vector<1024x10xf32> to vector<128x8x10xf32>
    %transpose3A_232 = tpu.transpose %reshape3A_231, [0, 2, 1] : vector<128x8x10xf32> -> vector<128x10x8xf32>
    %swap3A_233 = arith.constant 256 : index
    %swap3A_234 = arith.constant 0 : index
    %swap3A_235 = arith.constant 0 : index
    %swap3A_236 = vector.load %arg23[%swap3A_233, %swap3A_234, %swap3A_235] : memref<512x10x8xf32, #tpu.memory_space<vmem>>, vector<128x10x8xf32>
    tpu.vector_store %arg23[%swap3A_233, %swap3A_234, %swap3A_235], %transpose3A_232 {strides = array<i32>} : memref<512x10x8xf32, #tpu.memory_space<vmem>>, vector<128x10x8xf32>,
    %get3A_237 = arith.constant 384 : index
    %get3A_238 = arith.constant 0 : index
    %get3A_239 = arith.constant 0 : index
    %get3A_240 = vector.load %arg21[%get3A_237, %get3A_238, %get3A_239] : memref<512x8x128xf32, #tpu.memory_space<vmem>>, vector<128x8x128xf32>
    %reshape3A_241 = vector.shape_cast %get3A_240 : vector<128x8x128xf32> to vector<1024x128xf32>
    %get3A_242 = arith.constant 384 : index
    %get3A_243 = arith.constant 0 : index
    %get3A_244 = arith.constant 0 : index
    %get3A_245 = vector.load %arg22[%get3A_242, %get3A_243, %get3A_244] : memref<512x8x128xf32, #tpu.memory_space<vmem>>, vector<128x8x128xf32>
    %reshape3A_246 = vector.shape_cast %get3A_245 : vector<128x8x128xf32> to vector<1024x128xf32>
    %dot_general3A_247 = arith.constant dense<0.000000e+00> : vector<1024x10xf32>
    %dot_general3A_248 = tpu.matmul %reshape3A_241, %get3A_162, %dot_general3A_247 {dimension_numbers = #tpu.dot_dimension_numbers<[1], [1], [0], [0], [0, 0, 1, 0], [], []>, transpose_lhs_hint = false} : vector<1024x128xf32>, vector<10x128xf32>, vector<1024x10xf32> -> vector<1024x10xf32>
    %dot_general3A_249 = arith.constant dense<0.000000e+00> : vector<1024x10xf32>
    %dot_general3A_250 = tpu.matmul %reshape3A_246, %get3A_165, %dot_general3A_249 {dimension_numbers = #tpu.dot_dimension_numbers<[1], [1], [0], [0], [0, 0, 1, 0], [], []>, transpose_lhs_hint = false} : vector<1024x128xf32>, vector<10x128xf32>, vector<1024x10xf32> -> vector<1024x10xf32>
    %add3A_251 = arith.addf %dot_general3A_248, %dot_general3A_250 : vector<1024x10xf32>
    %add3A_252 = vector.broadcast %reshape3A_168 : vector<1x10xf32> to vector<1024x10xf32>
    %add3A_253 = arith.addf %add3A_251, %add3A_252 : vector<1024x10xf32>
    %reshape3A_254 = vector.shape_cast %add3A_253 : vector<1024x10xf32> to vector<128x8x10xf32>
    %transpose3A_255 = tpu.transpose %reshape3A_254, [0, 2, 1] : vector<128x8x10xf32> -> vector<128x10x8xf32>
    %swap3A_256 = arith.constant 384 : index
    %swap3A_257 = arith.constant 0 : index
    %swap3A_258 = arith.constant 0 : index
    %swap3A_259 = vector.load %arg23[%swap3A_256, %swap3A_257, %swap3A_258] : memref<512x10x8xf32, #tpu.memory_space<vmem>>, vector<128x10x8xf32>
    tpu.vector_store %arg23[%swap3A_256, %swap3A_257, %swap3A_258], %transpose3A_255 {strides = array<i32>} : memref<512x10x8xf32, #tpu.memory_space<vmem>>, vector<128x10x8xf32>,
    %get3A_260 = arith.constant 0 : index
    %get3A_261 = arith.constant 0 : index
    %get3A_262 = vector.load %arg11[%get3A_260, %get3A_261] : memref<10x10xf32, #tpu.memory_space<vmem>>, vector<10x10xf32>
    %get3A_263 = arith.constant 0 : index
    %get3A_264 = arith.constant 0 : index
    %get3A_265 = vector.load %arg13[%get3A_263, %get3A_264] : memref<1x8xi32, #tpu.memory_space<vmem>>, vector<1x8xi32>
    %iota3A = tpu.iota {dimensions = array<i32: 0>} : vector<10x8xi32>
    %eq3A = arith.constant 8 : i32
    %eq3A_266 = vector.broadcast %eq3A : i32 to vector<10x8xi32>
    %eq3A_267 = arith.cmpi eq, %iota3A, %eq3A_266 : vector<10x8xi32>
    %jit3A = arith.constant 0.000000e+00 : f32
    %jit3A_268 = arith.constant -1.000000e+04 : f32
    %broadcast_in_dim3A = vector.broadcast %jit3A : f32 to vector<10x8xf32>
    %broadcast_in_dim3A_269 = vector.broadcast %jit3A_268 : f32 to vector<10x8xf32>
    %select_n3A = arith.select %eq3A_267, %broadcast_in_dim3A, %broadcast_in_dim3A_269 : vector<10x8xi1>, vector<10x8xf32>
    %get3A_270 = arith.constant 0 : index
    %get3A_271 = arith.constant 0 : index
    %get3A_272 = vector.load %arg11[%get3A_270, %get3A_271] : memref<10x10xf32, #tpu.memory_space<vmem>>, vector<10x1xf32>
    %broadcast_in_dim3A_273 = vector.shape_cast %get3A_272 : vector<10x1xf32> to vector<10x1xf32>
    %broadcast_in_dim3A_274 = vector.broadcast %broadcast_in_dim3A_273 : vector<10x1xf32> to vector<10x8xf32>
    %get3A_275 = arith.constant 0 : index
    %get3A_276 = arith.constant 1 : index
    %get3A_277 = vector.load %arg11[%get3A_275, %get3A_276] : memref<10x10xf32, #tpu.memory_space<vmem>>, vector<10x1xf32>
    %broadcast_in_dim3A_278 = vector.shape_cast %get3A_277 : vector<10x1xf32> to vector<10x1xf32>
    %broadcast_in_dim3A_279 = vector.broadcast %broadcast_in_dim3A_278 : vector<10x1xf32> to vector<10x8xf32>
    %get3A_280 = arith.constant 0 : index
    %get3A_281 = arith.constant 2 : index
    %get3A_282 = vector.load %arg11[%get3A_280, %get3A_281] : memref<10x10xf32, #tpu.memory_space<vmem>>, vector<10x1xf32>
    %broadcast_in_dim3A_283 = vector.shape_cast %get3A_282 : vector<10x1xf32> to vector<10x1xf32>
    %broadcast_in_dim3A_284 = vector.broadcast %broadcast_in_dim3A_283 : vector<10x1xf32> to vector<10x8xf32>
    %get3A_285 = arith.constant 0 : index
    %get3A_286 = arith.constant 3 : index
    %get3A_287 = vector.load %arg11[%get3A_285, %get3A_286] : memref<10x10xf32, #tpu.memory_space<vmem>>, vector<10x1xf32>
    %broadcast_in_dim3A_288 = vector.shape_cast %get3A_287 : vector<10x1xf32> to vector<10x1xf32>
    %broadcast_in_dim3A_289 = vector.broadcast %broadcast_in_dim3A_288 : vector<10x1xf32> to vector<10x8xf32>
    %get3A_290 = arith.constant 0 : index
    %get3A_291 = arith.constant 4 : index
    %get3A_292 = vector.load %arg11[%get3A_290, %get3A_291] : memref<10x10xf32, #tpu.memory_space<vmem>>, vector<10x1xf32>
    %broadcast_in_dim3A_293 = vector.shape_cast %get3A_292 : vector<10x1xf32> to vector<10x1xf32>
    %broadcast_in_dim3A_294 = vector.broadcast %broadcast_in_dim3A_293 : vector<10x1xf32> to vector<10x8xf32>
    %get3A_295 = arith.constant 0 : index
    %get3A_296 = arith.constant 5 : index
    %get3A_297 = vector.load %arg11[%get3A_295, %get3A_296] : memref<10x10xf32, #tpu.memory_space<vmem>>, vector<10x1xf32>
    %broadcast_in_dim3A_298 = vector.shape_cast %get3A_297 : vector<10x1xf32> to vector<10x1xf32>
    %broadcast_in_dim3A_299 = vector.broadcast %broadcast_in_dim3A_298 : vector<10x1xf32> to vector<10x8xf32>
    %get3A_300 = arith.constant 0 : index
    %get3A_301 = arith.constant 6 : index
    %get3A_302 = vector.load %arg11[%get3A_300, %get3A_301] : memref<10x10xf32, #tpu.memory_space<vmem>>, vector<10x1xf32>
    %broadcast_in_dim3A_303 = vector.shape_cast %get3A_302 : vector<10x1xf32> to vector<10x1xf32>
    %broadcast_in_dim3A_304 = vector.broadcast %broadcast_in_dim3A_303 : vector<10x1xf32> to vector<10x8xf32>
    %get3A_305 = arith.constant 0 : index
    %get3A_306 = arith.constant 7 : index
    %get3A_307 = vector.load %arg11[%get3A_305, %get3A_306] : memref<10x10xf32, #tpu.memory_space<vmem>>, vector<10x1xf32>
    %broadcast_in_dim3A_308 = vector.shape_cast %get3A_307 : vector<10x1xf32> to vector<10x1xf32>
    %broadcast_in_dim3A_309 = vector.broadcast %broadcast_in_dim3A_308 : vector<10x1xf32> to vector<10x8xf32>
    %get3A_310 = arith.constant 0 : index
    %get3A_311 = arith.constant 8 : index
    %get3A_312 = vector.load %arg11[%get3A_310, %get3A_311] : memref<10x10xf32, #tpu.memory_space<vmem>>, vector<10x1xf32>
    %broadcast_in_dim3A_313 = vector.shape_cast %get3A_312 : vector<10x1xf32> to vector<10x1xf32>
    %broadcast_in_dim3A_314 = vector.broadcast %broadcast_in_dim3A_313 : vector<10x1xf32> to vector<10x8xf32>
    %get3A_315 = arith.constant 0 : index
    %get3A_316 = arith.constant 9 : index
    %get3A_317 = vector.load %arg11[%get3A_315, %get3A_316] : memref<10x10xf32, #tpu.memory_space<vmem>>, vector<10x1xf32>
    %broadcast_in_dim3A_318 = vector.shape_cast %get3A_317 : vector<10x1xf32> to vector<10x1xf32>
    %broadcast_in_dim3A_319 = vector.broadcast %broadcast_in_dim3A_318 : vector<10x1xf32> to vector<10x8xf32>
    %iota3A_320 = tpu.iota {dimensions = array<i32: 0>} : vector<8x8xi32>
    %mul3A = arith.constant 4 : i32
    %mul3A_321 = vector.broadcast %mul3A : i32 to vector<8x8xi32>
    %mul3A_322 = arith.muli %iota3A_320, %mul3A_321 : vector<8x8xi32>
    %broadcast_in_dim3A_323 = arith.constant 0 : i32
    %broadcast_in_dim3A_324 = vector.broadcast %broadcast_in_dim3A_323 : i32 to vector<10x8xi32>
    %broadcast_in_dim3A_325 = arith.constant 1 : i32
    %broadcast_in_dim3A_326 = vector.broadcast %broadcast_in_dim3A_325 : i32 to vector<10x8xi32>
    %broadcast_in_dim3A_327 = arith.constant 2 : i32
    %broadcast_in_dim3A_328 = vector.broadcast %broadcast_in_dim3A_327 : i32 to vector<10x8xi32>
    %broadcast_in_dim3A_329 = arith.constant 3 : i32
    %broadcast_in_dim3A_330 = vector.broadcast %broadcast_in_dim3A_329 : i32 to vector<10x8xi32>
    %broadcast_in_dim3A_331 = arith.constant 4 : i32
    %broadcast_in_dim3A_332 = vector.broadcast %broadcast_in_dim3A_331 : i32 to vector<10x8xi32>
    %broadcast_in_dim3A_333 = arith.constant 5 : i32
    %broadcast_in_dim3A_334 = vector.broadcast %broadcast_in_dim3A_333 : i32 to vector<10x8xi32>
    %broadcast_in_dim3A_335 = arith.constant 6 : i32
    %broadcast_in_dim3A_336 = vector.broadcast %broadcast_in_dim3A_335 : i32 to vector<10x8xi32>
    %broadcast_in_dim3A_337 = arith.constant 7 : i32
    %broadcast_in_dim3A_338 = vector.broadcast %broadcast_in_dim3A_337 : i32 to vector<10x8xi32>
    %broadcast_in_dim3A_339 = arith.constant 8 : i32
    %broadcast_in_dim3A_340 = vector.broadcast %broadcast_in_dim3A_339 : i32 to vector<10x8xi32>
    %broadcast_in_dim3A_341 = arith.constant 9 : i32
    %broadcast_in_dim3A_342 = vector.broadcast %broadcast_in_dim3A_341 : i32 to vector<10x8xi32>
    %scan3A_343 = arith.constant 0 : i32
    %scan3A_344 = arith.constant 512 : i32
    %scan3A_345 = arith.addi %scan3A_343, %scan3A_344 : i32
    %scan3A_346 = arith.constant 2 : i32
    %scan3A_347 = scf.for %scan3A_410 = %scan3A_343 to %scan3A_345 step %scan3A_346 iter_args(%scan3A_411 = %select_n3A) -> (vector<10x8xf32>)  : i32 {
      %slice3A_412 = vector.extract_strided_slice %scan3A_411 {offsets = [0, 0], sizes = [1, 8], strides = [1, 1]} : vector<10x8xf32> to vector<1x8xf32>
      %broadcast_in_dim3A_413 = vector.shape_cast %slice3A_412 : vector<1x8xf32> to vector<1x8xf32>
      %broadcast_in_dim3A_414 = vector.broadcast %broadcast_in_dim3A_413 : vector<1x8xf32> to vector<10x8xf32>
      %add3A_415 = arith.addf %broadcast_in_dim3A_414, %broadcast_in_dim3A_274 : vector<10x8xf32>
      %slice3A_416 = vector.extract_strided_slice %scan3A_411 {offsets = [1, 0], sizes = [1, 8], strides = [1, 1]} : vector<10x8xf32> to vector<1x8xf32>
      %broadcast_in_dim3A_417 = vector.shape_cast %slice3A_416 : vector<1x8xf32> to vector<1x8xf32>
      %broadcast_in_dim3A_418 = vector.broadcast %broadcast_in_dim3A_417 : vector<1x8xf32> to vector<10x8xf32>
      %add3A_419 = arith.addf %broadcast_in_dim3A_418, %broadcast_in_dim3A_279 : vector<10x8xf32>
      %slice3A_420 = vector.extract_strided_slice %scan3A_411 {offsets = [2, 0], sizes = [1, 8], strides = [1, 1]} : vector<10x8xf32> to vector<1x8xf32>
      %broadcast_in_dim3A_421 = vector.shape_cast %slice3A_420 : vector<1x8xf32> to vector<1x8xf32>
      %broadcast_in_dim3A_422 = vector.broadcast %broadcast_in_dim3A_421 : vector<1x8xf32> to vector<10x8xf32>
      %add3A_423 = arith.addf %broadcast_in_dim3A_422, %broadcast_in_dim3A_284 : vector<10x8xf32>
      %slice3A_424 = vector.extract_strided_slice %scan3A_411 {offsets = [3, 0], sizes = [1, 8], strides = [1, 1]} : vector<10x8xf32> to vector<1x8xf32>
      %broadcast_in_dim3A_425 = vector.shape_cast %slice3A_424 : vector<1x8xf32> to vector<1x8xf32>
      %broadcast_in_dim3A_426 = vector.broadcast %broadcast_in_dim3A_425 : vector<1x8xf32> to vector<10x8xf32>
      %add3A_427 = arith.addf %broadcast_in_dim3A_426, %broadcast_in_dim3A_289 : vector<10x8xf32>
      %slice3A_428 = vector.extract_strided_slice %scan3A_411 {offsets = [4, 0], sizes = [1, 8], strides = [1, 1]} : vector<10x8xf32> to vector<1x8xf32>
      %broadcast_in_dim3A_429 = vector.shape_cast %slice3A_428 : vector<1x8xf32> to vector<1x8xf32>
      %broadcast_in_dim3A_430 = vector.broadcast %broadcast_in_dim3A_429 : vector<1x8xf32> to vector<10x8xf32>
      %add3A_431 = arith.addf %broadcast_in_dim3A_430, %broadcast_in_dim3A_294 : vector<10x8xf32>
      %slice3A_432 = vector.extract_strided_slice %scan3A_411 {offsets = [5, 0], sizes = [1, 8], strides = [1, 1]} : vector<10x8xf32> to vector<1x8xf32>
      %broadcast_in_dim3A_433 = vector.shape_cast %slice3A_432 : vector<1x8xf32> to vector<1x8xf32>
      %broadcast_in_dim3A_434 = vector.broadcast %broadcast_in_dim3A_433 : vector<1x8xf32> to vector<10x8xf32>
      %add3A_435 = arith.addf %broadcast_in_dim3A_434, %broadcast_in_dim3A_299 : vector<10x8xf32>
      %slice3A_436 = vector.extract_strided_slice %scan3A_411 {offsets = [6, 0], sizes = [1, 8], strides = [1, 1]} : vector<10x8xf32> to vector<1x8xf32>
      %broadcast_in_dim3A_437 = vector.shape_cast %slice3A_436 : vector<1x8xf32> to vector<1x8xf32>
      %broadcast_in_dim3A_438 = vector.broadcast %broadcast_in_dim3A_437 : vector<1x8xf32> to vector<10x8xf32>
      %add3A_439 = arith.addf %broadcast_in_dim3A_438, %broadcast_in_dim3A_304 : vector<10x8xf32>
      %slice3A_440 = vector.extract_strided_slice %scan3A_411 {offsets = [7, 0], sizes = [1, 8], strides = [1, 1]} : vector<10x8xf32> to vector<1x8xf32>
      %broadcast_in_dim3A_441 = vector.shape_cast %slice3A_440 : vector<1x8xf32> to vector<1x8xf32>
      %broadcast_in_dim3A_442 = vector.broadcast %broadcast_in_dim3A_441 : vector<1x8xf32> to vector<10x8xf32>
      %add3A_443 = arith.addf %broadcast_in_dim3A_442, %broadcast_in_dim3A_309 : vector<10x8xf32>
      %slice3A_444 = vector.extract_strided_slice %scan3A_411 {offsets = [8, 0], sizes = [1, 8], strides = [1, 1]} : vector<10x8xf32> to vector<1x8xf32>
      %broadcast_in_dim3A_445 = vector.shape_cast %slice3A_444 : vector<1x8xf32> to vector<1x8xf32>
      %broadcast_in_dim3A_446 = vector.broadcast %broadcast_in_dim3A_445 : vector<1x8xf32> to vector<10x8xf32>
      %add3A_447 = arith.addf %broadcast_in_dim3A_446, %broadcast_in_dim3A_314 : vector<10x8xf32>
      %slice3A_448 = vector.extract_strided_slice %scan3A_411 {offsets = [9, 0], sizes = [1, 8], strides = [1, 1]} : vector<10x8xf32> to vector<1x8xf32>
      %broadcast_in_dim3A_449 = vector.shape_cast %slice3A_448 : vector<1x8xf32> to vector<1x8xf32>
      %broadcast_in_dim3A_450 = vector.broadcast %broadcast_in_dim3A_449 : vector<1x8xf32> to vector<10x8xf32>
      %add3A_451 = arith.addf %broadcast_in_dim3A_450, %broadcast_in_dim3A_319 : vector<10x8xf32>
      %ge3A = arith.cmpf oge, %add3A_415, %add3A_419 : vector<10x8xf32>
      %select_n3A_452 = arith.select %ge3A, %add3A_415, %add3A_419 : vector<10x8xi1>, vector<10x8xf32>
      %select_n3A_453 = arith.select %ge3A, %broadcast_in_dim3A_324, %broadcast_in_dim3A_326 : vector<10x8xi1>, vector<10x8xi32>
      %ge3A_454 = arith.cmpf oge, %add3A_423, %add3A_427 : vector<10x8xf32>
      %select_n3A_455 = arith.select %ge3A_454, %add3A_423, %add3A_427 : vector<10x8xi1>, vector<10x8xf32>
      %select_n3A_456 = arith.select %ge3A_454, %broadcast_in_dim3A_328, %broadcast_in_dim3A_330 : vector<10x8xi1>, vector<10x8xi32>
      %ge3A_457 = arith.cmpf oge, %add3A_431, %add3A_435 : vector<10x8xf32>
      %select_n3A_458 = arith.select %ge3A_457, %add3A_431, %add3A_435 : vector<10x8xi1>, vector<10x8xf32>
      %select_n3A_459 = arith.select %ge3A_457, %broadcast_in_dim3A_332, %broadcast_in_dim3A_334 : vector<10x8xi1>, vector<10x8xi32>
      %ge3A_460 = arith.cmpf oge, %add3A_439, %add3A_443 : vector<10x8xf32>
      %select_n3A_461 = arith.select %ge3A_460, %add3A_439, %add3A_443 : vector<10x8xi1>, vector<10x8xf32>
      %select_n3A_462 = arith.select %ge3A_460, %broadcast_in_dim3A_336, %broadcast_in_dim3A_338 : vector<10x8xi1>, vector<10x8xi32>
      %ge3A_463 = arith.cmpf oge, %add3A_447, %add3A_451 : vector<10x8xf32>
      %select_n3A_464 = arith.select %ge3A_463, %add3A_447, %add3A_451 : vector<10x8xi1>, vector<10x8xf32>
      %select_n3A_465 = arith.select %ge3A_463, %broadcast_in_dim3A_340, %broadcast_in_dim3A_342 : vector<10x8xi1>, vector<10x8xi32>
      %ge3A_466 = arith.cmpf oge, %select_n3A_452, %select_n3A_455 : vector<10x8xf32>
      %select_n3A_467 = arith.select %ge3A_466, %select_n3A_452, %select_n3A_455 : vector<10x8xi1>, vector<10x8xf32>
      %select_n3A_468 = arith.select %ge3A_466, %select_n3A_453, %select_n3A_456 : vector<10x8xi1>, vector<10x8xi32>
      %ge3A_469 = arith.cmpf oge, %select_n3A_458, %select_n3A_461 : vector<10x8xf32>
      %select_n3A_470 = arith.select %ge3A_469, %select_n3A_458, %select_n3A_461 : vector<10x8xi1>, vector<10x8xf32>
      %select_n3A_471 = arith.select %ge3A_469, %select_n3A_459, %select_n3A_462 : vector<10x8xi1>, vector<10x8xi32>
      %ge3A_472 = arith.cmpf oge, %select_n3A_467, %select_n3A_470 : vector<10x8xf32>
      %select_n3A_473 = arith.select %ge3A_472, %select_n3A_467, %select_n3A_470 : vector<10x8xi1>, vector<10x8xf32>
      %select_n3A_474 = arith.select %ge3A_472, %select_n3A_468, %select_n3A_471 : vector<10x8xi1>, vector<10x8xi32>
      %ge3A_475 = arith.cmpf oge, %select_n3A_473, %select_n3A_464 : vector<10x8xf32>
      %select_n3A_476 = arith.select %ge3A_475, %select_n3A_473, %select_n3A_464 : vector<10x8xi1>, vector<10x8xf32>
      %select_n3A_477 = arith.select %ge3A_475, %select_n3A_474, %select_n3A_465 : vector<10x8xi1>, vector<10x8xi32>
      %slice3A_478 = vector.extract_strided_slice %select_n3A_477 {offsets = [0, 0], sizes = [8, 8], strides = [1, 1]} : vector<10x8xi32> to vector<8x8xi32>
      %shift_left3A = arith.shli %slice3A_478, %mul3A_322 : vector<8x8xi32>
      %reduce_sum3A = arith.constant dense<0> : vector<8xi32>
      %reduce_sum3A_479 = vector.multi_reduction <add>, %shift_left3A, %reduce_sum3A [0] : vector<8x8xi32> to vector<8xi32>
      %broadcast_in_dim3A_480 = vector.shape_cast %reduce_sum3A_479 : vector<8xi32> to vector<1x8xi32>
      %slice3A_481 = vector.extract_strided_slice %select_n3A_477 {offsets = [8, 0], sizes = [1, 8], strides = [1, 1]} : vector<10x8xi32> to vector<1x8xi32>
      %slice3A_482 = vector.extract_strided_slice %select_n3A_477 {offsets = [9, 0], sizes = [1, 8], strides = [1, 1]} : vector<10x8xi32> to vector<1x8xi32>
      %shift_left3A_483 = arith.constant 4 : i32
      %shift_left3A_484 = vector.broadcast %shift_left3A_483 : i32 to vector<1x8xi32>
      %shift_left3A_485 = arith.shli %slice3A_482, %shift_left3A_484 : vector<1x8xi32>
      %or3A = arith.ori %slice3A_481, %shift_left3A_485 : vector<1x8xi32>
      %concatenate3A_486 = tpu.concatenate %broadcast_in_dim3A_480, %or3A in 0 : vector<1x8xi32>, vector<1x8xi32> -> vector<2x8xi32>
      %broadcast_in_dim3A_487 = vector.shape_cast %concatenate3A_486 : vector<2x8xi32> to vector<1x2x8xi32>
      %swap3A_488 = arith.index_cast %scan3A_410 : i32 to index
      %swap3A_489 = arith.constant 0 : index
      %swap3A_490 = arith.constant 0 : index
      %swap3A_491 = vector.load %arg24[%swap3A_488, %swap3A_489, %swap3A_490] : memref<512x2x8xi32, #tpu.memory_space<vmem>>, vector<1x2x8xi32>
      tpu.vector_store %arg24[%swap3A_488, %swap3A_489, %swap3A_490], %broadcast_in_dim3A_487 {strides = array<i32>} : memref<512x2x8xi32, #tpu.memory_space<vmem>>, vector<1x2x8xi32>,
      %get3A_492 = arith.index_cast %scan3A_410 : i32 to index
      %get3A_493 = arith.constant 0 : index
      %get3A_494 = arith.constant 0 : index
      %get3A_495 = vector.load %arg23[%get3A_492, %get3A_493, %get3A_494] : memref<512x10x8xf32, #tpu.memory_space<vmem>>, vector<1x10x8xf32>
      %get3A_496 = vector.shape_cast %get3A_495 : vector<1x10x8xf32> to vector<10x8xf32>
      %add3A_497 = arith.addf %select_n3A_476, %get3A_496 : vector<10x8xf32>
      %lt3A = vector.broadcast %scan3A_410 : i32 to vector<1x8xi32>
      %lt3A_498 = arith.cmpi slt, %lt3A, %get3A_265 : vector<1x8xi32>
      %broadcast_in_dim3A_499 = vector.shape_cast %lt3A_498 : vector<1x8xi1> to vector<1x8xi1>
      %broadcast_in_dim3A_500 = vector.broadcast %broadcast_in_dim3A_499 : vector<1x8xi1> to vector<10x8xi1>
      %select_n3A_501 = arith.select %broadcast_in_dim3A_500, %add3A_497, %scan3A_411 : vector<10x8xi1>, vector<10x8xf32>
      %scan3A_502 = arith.constant 1 : i32
      %scan3A_503 = arith.addi %scan3A_410, %scan3A_502 : i32
      %slice3A_504 = vector.extract_strided_slice %select_n3A_501 {offsets = [0, 0], sizes = [1, 8], strides = [1, 1]} : vector<10x8xf32> to vector<1x8xf32>
      %broadcast_in_dim3A_505 = vector.shape_cast %slice3A_504 : vector<1x8xf32> to vector<1x8xf32>
      %broadcast_in_dim3A_506 = vector.broadcast %broadcast_in_dim3A_505 : vector<1x8xf32> to vector<10x8xf32>
      %add3A_507 = arith.addf %broadcast_in_dim3A_506, %broadcast_in_dim3A_274 : vector<10x8xf32>
      %slice3A_508 = vector.extract_strided_slice %select_n3A_501 {offsets = [1, 0], sizes = [1, 8], strides = [1, 1]} : vector<10x8xf32> to vector<1x8xf32>
      %broadcast_in_dim3A_509 = vector.shape_cast %slice3A_508 : vector<1x8xf32> to vector<1x8xf32>
      %broadcast_in_dim3A_510 = vector.broadcast %broadcast_in_dim3A_509 : vector<1x8xf32> to vector<10x8xf32>
      %add3A_511 = arith.addf %broadcast_in_dim3A_510, %broadcast_in_dim3A_279 : vector<10x8xf32>
      %slice3A_512 = vector.extract_strided_slice %select_n3A_501 {offsets = [2, 0], sizes = [1, 8], strides = [1, 1]} : vector<10x8xf32> to vector<1x8xf32>
      %broadcast_in_dim3A_513 = vector.shape_cast %slice3A_512 : vector<1x8xf32> to vector<1x8xf32>
      %broadcast_in_dim3A_514 = vector.broadcast %broadcast_in_dim3A_513 : vector<1x8xf32> to vector<10x8xf32>
      %add3A_515 = arith.addf %broadcast_in_dim3A_514, %broadcast_in_dim3A_284 : vector<10x8xf32>
      %slice3A_516 = vector.extract_strided_slice %select_n3A_501 {offsets = [3, 0], sizes = [1, 8], strides = [1, 1]} : vector<10x8xf32> to vector<1x8xf32>
      %broadcast_in_dim3A_517 = vector.shape_cast %slice3A_516 : vector<1x8xf32> to vector<1x8xf32>
      %broadcast_in_dim3A_518 = vector.broadcast %broadcast_in_dim3A_517 : vector<1x8xf32> to vector<10x8xf32>
      %add3A_519 = arith.addf %broadcast_in_dim3A_518, %broadcast_in_dim3A_289 : vector<10x8xf32>
      %slice3A_520 = vector.extract_strided_slice %select_n3A_501 {offsets = [4, 0], sizes = [1, 8], strides = [1, 1]} : vector<10x8xf32> to vector<1x8xf32>
      %broadcast_in_dim3A_521 = vector.shape_cast %slice3A_520 : vector<1x8xf32> to vector<1x8xf32>
      %broadcast_in_dim3A_522 = vector.broadcast %broadcast_in_dim3A_521 : vector<1x8xf32> to vector<10x8xf32>
      %add3A_523 = arith.addf %broadcast_in_dim3A_522, %broadcast_in_dim3A_294 : vector<10x8xf32>
      %slice3A_524 = vector.extract_strided_slice %select_n3A_501 {offsets = [5, 0], sizes = [1, 8], strides = [1, 1]} : vector<10x8xf32> to vector<1x8xf32>
      %broadcast_in_dim3A_525 = vector.shape_cast %slice3A_524 : vector<1x8xf32> to vector<1x8xf32>
      %broadcast_in_dim3A_526 = vector.broadcast %broadcast_in_dim3A_525 : vector<1x8xf32> to vector<10x8xf32>
      %add3A_527 = arith.addf %broadcast_in_dim3A_526, %broadcast_in_dim3A_299 : vector<10x8xf32>
      %slice3A_528 = vector.extract_strided_slice %select_n3A_501 {offsets = [6, 0], sizes = [1, 8], strides = [1, 1]} : vector<10x8xf32> to vector<1x8xf32>
      %broadcast_in_dim3A_529 = vector.shape_cast %slice3A_528 : vector<1x8xf32> to vector<1x8xf32>
      %broadcast_in_dim3A_530 = vector.broadcast %broadcast_in_dim3A_529 : vector<1x8xf32> to vector<10x8xf32>
      %add3A_531 = arith.addf %broadcast_in_dim3A_530, %broadcast_in_dim3A_304 : vector<10x8xf32>
      %slice3A_532 = vector.extract_strided_slice %select_n3A_501 {offsets = [7, 0], sizes = [1, 8], strides = [1, 1]} : vector<10x8xf32> to vector<1x8xf32>
      %broadcast_in_dim3A_533 = vector.shape_cast %slice3A_532 : vector<1x8xf32> to vector<1x8xf32>
      %broadcast_in_dim3A_534 = vector.broadcast %broadcast_in_dim3A_533 : vector<1x8xf32> to vector<10x8xf32>
      %add3A_535 = arith.addf %broadcast_in_dim3A_534, %broadcast_in_dim3A_309 : vector<10x8xf32>
      %slice3A_536 = vector.extract_strided_slice %select_n3A_501 {offsets = [8, 0], sizes = [1, 8], strides = [1, 1]} : vector<10x8xf32> to vector<1x8xf32>
      %broadcast_in_dim3A_537 = vector.shape_cast %slice3A_536 : vector<1x8xf32> to vector<1x8xf32>
      %broadcast_in_dim3A_538 = vector.broadcast %broadcast_in_dim3A_537 : vector<1x8xf32> to vector<10x8xf32>
      %add3A_539 = arith.addf %broadcast_in_dim3A_538, %broadcast_in_dim3A_314 : vector<10x8xf32>
      %slice3A_540 = vector.extract_strided_slice %select_n3A_501 {offsets = [9, 0], sizes = [1, 8], strides = [1, 1]} : vector<10x8xf32> to vector<1x8xf32>
      %broadcast_in_dim3A_541 = vector.shape_cast %slice3A_540 : vector<1x8xf32> to vector<1x8xf32>
      %broadcast_in_dim3A_542 = vector.broadcast %broadcast_in_dim3A_541 : vector<1x8xf32> to vector<10x8xf32>
      %add3A_543 = arith.addf %broadcast_in_dim3A_542, %broadcast_in_dim3A_319 : vector<10x8xf32>
      %ge3A_544 = arith.cmpf oge, %add3A_507, %add3A_511 : vector<10x8xf32>
      %select_n3A_545 = arith.select %ge3A_544, %add3A_507, %add3A_511 : vector<10x8xi1>, vector<10x8xf32>
      %select_n3A_546 = arith.select %ge3A_544, %broadcast_in_dim3A_324, %broadcast_in_dim3A_326 : vector<10x8xi1>, vector<10x8xi32>
      %ge3A_547 = arith.cmpf oge, %add3A_515, %add3A_519 : vector<10x8xf32>
      %select_n3A_548 = arith.select %ge3A_547, %add3A_515, %add3A_519 : vector<10x8xi1>, vector<10x8xf32>
      %select_n3A_549 = arith.select %ge3A_547, %broadcast_in_dim3A_328, %broadcast_in_dim3A_330 : vector<10x8xi1>, vector<10x8xi32>
      %ge3A_550 = arith.cmpf oge, %add3A_523, %add3A_527 : vector<10x8xf32>
      %select_n3A_551 = arith.select %ge3A_550, %add3A_523, %add3A_527 : vector<10x8xi1>, vector<10x8xf32>
      %select_n3A_552 = arith.select %ge3A_550, %broadcast_in_dim3A_332, %broadcast_in_dim3A_334 : vector<10x8xi1>, vector<10x8xi32>
      %ge3A_553 = arith.cmpf oge, %add3A_531, %add3A_535 : vector<10x8xf32>
      %select_n3A_554 = arith.select %ge3A_553, %add3A_531, %add3A_535 : vector<10x8xi1>, vector<10x8xf32>
      %select_n3A_555 = arith.select %ge3A_553, %broadcast_in_dim3A_336, %broadcast_in_dim3A_338 : vector<10x8xi1>, vector<10x8xi32>
      %ge3A_556 = arith.cmpf oge, %add3A_539, %add3A_543 : vector<10x8xf32>
      %select_n3A_557 = arith.select %ge3A_556, %add3A_539, %add3A_543 : vector<10x8xi1>, vector<10x8xf32>
      %select_n3A_558 = arith.select %ge3A_556, %broadcast_in_dim3A_340, %broadcast_in_dim3A_342 : vector<10x8xi1>, vector<10x8xi32>
      %ge3A_559 = arith.cmpf oge, %select_n3A_545, %select_n3A_548 : vector<10x8xf32>
      %select_n3A_560 = arith.select %ge3A_559, %select_n3A_545, %select_n3A_548 : vector<10x8xi1>, vector<10x8xf32>
      %select_n3A_561 = arith.select %ge3A_559, %select_n3A_546, %select_n3A_549 : vector<10x8xi1>, vector<10x8xi32>
      %ge3A_562 = arith.cmpf oge, %select_n3A_551, %select_n3A_554 : vector<10x8xf32>
      %select_n3A_563 = arith.select %ge3A_562, %select_n3A_551, %select_n3A_554 : vector<10x8xi1>, vector<10x8xf32>
      %select_n3A_564 = arith.select %ge3A_562, %select_n3A_552, %select_n3A_555 : vector<10x8xi1>, vector<10x8xi32>
      %ge3A_565 = arith.cmpf oge, %select_n3A_560, %select_n3A_563 : vector<10x8xf32>
      %select_n3A_566 = arith.select %ge3A_565, %select_n3A_560, %select_n3A_563 : vector<10x8xi1>, vector<10x8xf32>
      %select_n3A_567 = arith.select %ge3A_565, %select_n3A_561, %select_n3A_564 : vector<10x8xi1>, vector<10x8xi32>
      %ge3A_568 = arith.cmpf oge, %select_n3A_566, %select_n3A_557 : vector<10x8xf32>
      %select_n3A_569 = arith.select %ge3A_568, %select_n3A_566, %select_n3A_557 : vector<10x8xi1>, vector<10x8xf32>
      %select_n3A_570 = arith.select %ge3A_568, %select_n3A_567, %select_n3A_558 : vector<10x8xi1>, vector<10x8xi32>
      %slice3A_571 = vector.extract_strided_slice %select_n3A_570 {offsets = [0, 0], sizes = [8, 8], strides = [1, 1]} : vector<10x8xi32> to vector<8x8xi32>
      %shift_left3A_572 = arith.shli %slice3A_571, %mul3A_322 : vector<8x8xi32>
      %reduce_sum3A_573 = arith.constant dense<0> : vector<8xi32>
      %reduce_sum3A_574 = vector.multi_reduction <add>, %shift_left3A_572, %reduce_sum3A_573 [0] : vector<8x8xi32> to vector<8xi32>
      %broadcast_in_dim3A_575 = vector.shape_cast %reduce_sum3A_574 : vector<8xi32> to vector<1x8xi32>
      %slice3A_576 = vector.extract_strided_slice %select_n3A_570 {offsets = [8, 0], sizes = [1, 8], strides = [1, 1]} : vector<10x8xi32> to vector<1x8xi32>
      %slice3A_577 = vector.extract_strided_slice %select_n3A_570 {offsets = [9, 0], sizes = [1, 8], strides = [1, 1]} : vector<10x8xi32> to vector<1x8xi32>
      %shift_left3A_578 = arith.constant 4 : i32
      %shift_left3A_579 = vector.broadcast %shift_left3A_578 : i32 to vector<1x8xi32>
      %shift_left3A_580 = arith.shli %slice3A_577, %shift_left3A_579 : vector<1x8xi32>
      %or3A_581 = arith.ori %slice3A_576, %shift_left3A_580 : vector<1x8xi32>
      %concatenate3A_582 = tpu.concatenate %broadcast_in_dim3A_575, %or3A_581 in 0 : vector<1x8xi32>, vector<1x8xi32> -> vector<2x8xi32>
      %broadcast_in_dim3A_583 = vector.shape_cast %concatenate3A_582 : vector<2x8xi32> to vector<1x2x8xi32>
      %swap3A_584 = arith.index_cast %scan3A_503 : i32 to index
      %swap3A_585 = arith.constant 0 : index
      %swap3A_586 = arith.constant 0 : index
      %swap3A_587 = vector.load %arg24[%swap3A_584, %swap3A_585, %swap3A_586] : memref<512x2x8xi32, #tpu.memory_space<vmem>>, vector<1x2x8xi32>
      tpu.vector_store %arg24[%swap3A_584, %swap3A_585, %swap3A_586], %broadcast_in_dim3A_583 {strides = array<i32>} : memref<512x2x8xi32, #tpu.memory_space<vmem>>, vector<1x2x8xi32>,
      %get3A_588 = arith.index_cast %scan3A_503 : i32 to index
      %get3A_589 = arith.constant 0 : index
      %get3A_590 = arith.constant 0 : index
      %get3A_591 = vector.load %arg23[%get3A_588, %get3A_589, %get3A_590] : memref<512x10x8xf32, #tpu.memory_space<vmem>>, vector<1x10x8xf32>
      %get3A_592 = vector.shape_cast %get3A_591 : vector<1x10x8xf32> to vector<10x8xf32>
      %add3A_593 = arith.addf %select_n3A_569, %get3A_592 : vector<10x8xf32>
      %lt3A_594 = vector.broadcast %scan3A_503 : i32 to vector<1x8xi32>
      %lt3A_595 = arith.cmpi slt, %lt3A_594, %get3A_265 : vector<1x8xi32>
      %broadcast_in_dim3A_596 = vector.shape_cast %lt3A_595 : vector<1x8xi1> to vector<1x8xi1>
      %broadcast_in_dim3A_597 = vector.broadcast %broadcast_in_dim3A_596 : vector<1x8xi1> to vector<10x8xi1>
      %select_n3A_598 = arith.select %broadcast_in_dim3A_597, %add3A_593, %select_n3A_501 : vector<10x8xi1>, vector<10x8xf32>
      scf.yield %select_n3A_598 : vector<10x8xf32>
    }
    %scan3A_348 = arith.constant 512 : i32
    %transpose3A_349 = tpu.transpose %scan3A_347, [1, 0] : vector<10x8xf32> -> vector<8x10xf32>
    %iota3A_350 = tpu.iota {dimensions = array<i32: 1>} : vector<8x10xi32>
    %slice3A = vector.extract_strided_slice %get3A_262 {offsets = [9, 0], sizes = [1, 10], strides = [1, 1]} : vector<10x10xf32> to vector<1x10xf32>
    %add3A_351 = vector.broadcast %slice3A : vector<1x10xf32> to vector<8x10xf32>
    %add3A_352 = arith.addf %transpose3A_349, %add3A_351 : vector<8x10xf32>
    %reduce_max3A = arith.constant dense<0xFF800000> : vector<8xf32>
    %reduce_max3A_353 = vector.multi_reduction <maximumf>, %add3A_352, %reduce_max3A [1] : vector<8x10xf32> to vector<8xf32>
    %broadcast_in_dim3A_354 = vector.shape_cast %reduce_max3A_353 : vector<8xf32> to vector<8x1xf32>
    %eq3A_355 = vector.broadcast %broadcast_in_dim3A_354 : vector<8x1xf32> to vector<8x10xf32>
    %eq3A_356 = arith.cmpf oeq, %add3A_352, %eq3A_355 : vector<8x10xf32>
    %jit3A_357 = arith.constant 10 : i32
    %broadcast_in_dim3A_358 = vector.broadcast %jit3A_357 : i32 to vector<8x10xi32>
    %select_n3A_359 = arith.select %eq3A_356, %iota3A_350, %broadcast_in_dim3A_358 : vector<8x10xi1>, vector<8x10xi32>
    %reduce_min3A = arith.constant dense<2147483647> : vector<8xi32>
    %reduce_min3A_360 = vector.multi_reduction <minsi>, %select_n3A_359, %reduce_min3A [1] : vector<8x10xi32> to vector<8xi32>
    %broadcast_in_dim3A_361 = vector.shape_cast %reduce_min3A_360 : vector<8xi32> to vector<8x1xi32>
    %swap3A_362 = arith.constant 0 : index
    %swap3A_363 = arith.constant 0 : index
    %swap3A_364 = vector.load %arg17[%swap3A_362, %swap3A_363] : memref<8x1xf32, #tpu.memory_space<vmem>>, vector<8x1xf32>
    tpu.vector_store %arg17[%swap3A_362, %swap3A_363], %broadcast_in_dim3A_354 {strides = array<i32>} : memref<8x1xf32, #tpu.memory_space<vmem>>, vector<8x1xf32>,
    %reshape3A_365 = vector.shape_cast %broadcast_in_dim3A_361 : vector<8x1xi32> to vector<1x8xi32>
    %broadcast_in_dim3A_366 = arith.constant 0 : i32
    %broadcast_in_dim3A_367 = vector.broadcast %broadcast_in_dim3A_366 : i32 to vector<1x8xi32>
    %scan3A_368 = arith.constant 0 : i32
    %scan3A_369 = arith.constant 512 : i32
    %scan3A_370 = arith.addi %scan3A_368, %scan3A_369 : i32
    %scan3A_371 = arith.constant 2 : i32
    %scan3A_372 = scf.for %scan3A_410 = %scan3A_368 to %scan3A_370 step %scan3A_371 iter_args(%scan3A_411 = %broadcast_in_dim3A_367) -> (vector<1x8xi32>)  : i32 {
      %sub3A = arith.constant 511 : i32
      %sub3A_412 = arith.subi %sub3A, %scan3A_410 : i32
      %get3A_413 = arith.index_cast %sub3A_412 : i32 to index
      %get3A_414 = arith.constant 0 : index
      %get3A_415 = arith.constant 0 : index
      %get3A_416 = vector.load %arg24[%get3A_413, %get3A_414, %get3A_415] : memref<512x2x8xi32, #tpu.memory_space<vmem>>, vector<1x2x8xi32>
      %get3A_417 = vector.shape_cast %get3A_416 : vector<1x2x8xi32> to vector<2x8xi32>
      %sub3A_418 = arith.constant 1 : i32
      %sub3A_419 = vector.broadcast %sub3A_418 : i32 to vector<1x8xi32>
      %sub3A_420 = arith.subi %get3A_265, %sub3A_419 : vector<1x8xi32>
      %eq3A_421 = vector.broadcast %sub3A_412 : i32 to vector<1x8xi32>
      %eq3A_422 = arith.cmpi eq, %eq3A_421, %sub3A_420 : vector<1x8xi32>
      %select_n3A_423 = arith.select %eq3A_422, %reshape3A_365, %scan3A_411 : vector<1x8xi1>, vector<1x8xi32>
      %lt3A = vector.broadcast %sub3A_412 : i32 to vector<1x8xi32>
      %lt3A_424 = arith.cmpi slt, %lt3A, %get3A_265 : vector<1x8xi32>
      %jit3A_425 = arith.constant -1 : i32
      %broadcast_in_dim3A_426 = vector.broadcast %jit3A_425 : i32 to vector<1x8xi32>
      %select_n3A_427 = arith.select %lt3A_424, %select_n3A_423, %broadcast_in_dim3A_426 : vector<1x8xi1>, vector<1x8xi32>
      %broadcast_in_dim3A_428 = vector.shape_cast %select_n3A_427 : vector<1x8xi32> to vector<1x1x8xi32>
      %swap3A_429 = arith.index_cast %sub3A_412 : i32 to index
      %swap3A_430 = arith.constant 0 : index
      %swap3A_431 = arith.constant 0 : index
      %swap3A_432 = vector.load %arg25[%swap3A_429, %swap3A_430, %swap3A_431] : memref<512x1x8xi32, #tpu.memory_space<vmem>>, vector<1x1x8xi32>
      tpu.vector_store %arg25[%swap3A_429, %swap3A_430, %swap3A_431], %broadcast_in_dim3A_428 {strides = array<i32>} : memref<512x1x8xi32, #tpu.memory_space<vmem>>, vector<1x1x8xi32>,
      %lt3A_433 = arith.constant 8 : i32
      %lt3A_434 = vector.broadcast %lt3A_433 : i32 to vector<1x8xi32>
      %lt3A_435 = arith.cmpi slt, %select_n3A_423, %lt3A_434 : vector<1x8xi32>
      %slice3A_436 = vector.extract_strided_slice %get3A_417 {offsets = [0, 0], sizes = [1, 8], strides = [1, 1]} : vector<2x8xi32> to vector<1x8xi32>
      %slice3A_437 = vector.extract_strided_slice %get3A_417 {offsets = [1, 0], sizes = [1, 8], strides = [1, 1]} : vector<2x8xi32> to vector<1x8xi32>
      %select_n3A_438 = arith.select %lt3A_435, %slice3A_436, %slice3A_437 : vector<1x8xi1>, vector<1x8xi32>
      %sub3A_439 = arith.constant 8 : i32
      %sub3A_440 = vector.broadcast %sub3A_439 : i32 to vector<1x8xi32>
      %sub3A_441 = arith.subi %select_n3A_423, %sub3A_440 : vector<1x8xi32>
      %select_n3A_442 = arith.select %lt3A_435, %select_n3A_423, %sub3A_441 : vector<1x8xi1>, vector<1x8xi32>
      %mul3A_443 = arith.constant 4 : i32
      %mul3A_444 = vector.broadcast %mul3A_443 : i32 to vector<1x8xi32>
      %mul3A_445 = arith.muli %select_n3A_442, %mul3A_444 : vector<1x8xi32>
      %shift_right_logical3A = arith.shrui %select_n3A_438, %mul3A_445 : vector<1x8xi32>
      %and3A = arith.constant 15 : i32
      %and3A_446 = vector.broadcast %and3A : i32 to vector<1x8xi32>
      %and3A_447 = arith.andi %shift_right_logical3A, %and3A_446 : vector<1x8xi32>
      %select_n3A_448 = arith.select %lt3A_424, %and3A_447, %select_n3A_423 : vector<1x8xi1>, vector<1x8xi32>
      %scan3A_449 = arith.constant 1 : i32
      %scan3A_450 = arith.addi %scan3A_410, %scan3A_449 : i32
      %sub3A_451 = arith.constant 511 : i32
      %sub3A_452 = arith.subi %sub3A_451, %scan3A_450 : i32
      %get3A_453 = arith.index_cast %sub3A_452 : i32 to index
      %get3A_454 = arith.constant 0 : index
      %get3A_455 = arith.constant 0 : index
      %get3A_456 = vector.load %arg24[%get3A_453, %get3A_454, %get3A_455] : memref<512x2x8xi32, #tpu.memory_space<vmem>>, vector<1x2x8xi32>
      %get3A_457 = vector.shape_cast %get3A_456 : vector<1x2x8xi32> to vector<2x8xi32>
      %sub3A_458 = arith.constant 1 : i32
      %sub3A_459 = vector.broadcast %sub3A_458 : i32 to vector<1x8xi32>
      %sub3A_460 = arith.subi %get3A_265, %sub3A_459 : vector<1x8xi32>
      %eq3A_461 = vector.broadcast %sub3A_452 : i32 to vector<1x8xi32>
      %eq3A_462 = arith.cmpi eq, %eq3A_461, %sub3A_460 : vector<1x8xi32>
      %select_n3A_463 = arith.select %eq3A_462, %reshape3A_365, %select_n3A_448 : vector<1x8xi1>, vector<1x8xi32>
      %lt3A_464 = vector.broadcast %sub3A_452 : i32 to vector<1x8xi32>
      %lt3A_465 = arith.cmpi slt, %lt3A_464, %get3A_265 : vector<1x8xi32>
      %jit3A_466 = arith.constant -1 : i32
      %broadcast_in_dim3A_467 = vector.broadcast %jit3A_466 : i32 to vector<1x8xi32>
      %select_n3A_468 = arith.select %lt3A_465, %select_n3A_463, %broadcast_in_dim3A_467 : vector<1x8xi1>, vector<1x8xi32>
      %broadcast_in_dim3A_469 = vector.shape_cast %select_n3A_468 : vector<1x8xi32> to vector<1x1x8xi32>
      %swap3A_470 = arith.index_cast %sub3A_452 : i32 to index
      %swap3A_471 = arith.constant 0 : index
      %swap3A_472 = arith.constant 0 : index
      %swap3A_473 = vector.load %arg25[%swap3A_470, %swap3A_471, %swap3A_472] : memref<512x1x8xi32, #tpu.memory_space<vmem>>, vector<1x1x8xi32>
      tpu.vector_store %arg25[%swap3A_470, %swap3A_471, %swap3A_472], %broadcast_in_dim3A_469 {strides = array<i32>} : memref<512x1x8xi32, #tpu.memory_space<vmem>>, vector<1x1x8xi32>,
      %lt3A_474 = arith.constant 8 : i32
      %lt3A_475 = vector.broadcast %lt3A_474 : i32 to vector<1x8xi32>
      %lt3A_476 = arith.cmpi slt, %select_n3A_463, %lt3A_475 : vector<1x8xi32>
      %slice3A_477 = vector.extract_strided_slice %get3A_457 {offsets = [0, 0], sizes = [1, 8], strides = [1, 1]} : vector<2x8xi32> to vector<1x8xi32>
      %slice3A_478 = vector.extract_strided_slice %get3A_457 {offsets = [1, 0], sizes = [1, 8], strides = [1, 1]} : vector<2x8xi32> to vector<1x8xi32>
      %select_n3A_479 = arith.select %lt3A_476, %slice3A_477, %slice3A_478 : vector<1x8xi1>, vector<1x8xi32>
      %sub3A_480 = arith.constant 8 : i32
      %sub3A_481 = vector.broadcast %sub3A_480 : i32 to vector<1x8xi32>
      %sub3A_482 = arith.subi %select_n3A_463, %sub3A_481 : vector<1x8xi32>
      %select_n3A_483 = arith.select %lt3A_476, %select_n3A_463, %sub3A_482 : vector<1x8xi1>, vector<1x8xi32>
      %mul3A_484 = arith.constant 4 : i32
      %mul3A_485 = vector.broadcast %mul3A_484 : i32 to vector<1x8xi32>
      %mul3A_486 = arith.muli %select_n3A_483, %mul3A_485 : vector<1x8xi32>
      %shift_right_logical3A_487 = arith.shrui %select_n3A_479, %mul3A_486 : vector<1x8xi32>
      %and3A_488 = arith.constant 15 : i32
      %and3A_489 = vector.broadcast %and3A_488 : i32 to vector<1x8xi32>
      %and3A_490 = arith.andi %shift_right_logical3A_487, %and3A_489 : vector<1x8xi32>
      %select_n3A_491 = arith.select %lt3A_465, %and3A_490, %select_n3A_463 : vector<1x8xi1>, vector<1x8xi32>
      scf.yield %select_n3A_491 : vector<1x8xi32>
    }
    %scan3A_373 = arith.constant 512 : i32
    %get3A_374 = arith.constant 0 : index
    %get3A_375 = arith.constant 0 : index
    %get3A_376 = arith.constant 0 : index
    %get3A_377 = vector.load %arg25[%get3A_374, %get3A_375, %get3A_376] : memref<512x1x8xi32, #tpu.memory_space<vmem>>, vector<128x1x8xi32>
    %transpose3A_378 = tpu.transpose %get3A_377, [2, 1, 0] : vector<128x1x8xi32> -> vector<8x1x128xi32>
    %reshape3A_379 = vector.shape_cast %transpose3A_378 : vector<8x1x128xi32> to vector<8x128xi32>
    %swap3A_380 = arith.constant 0 : index
    %swap3A_381 = arith.constant 0 : index
    %swap3A_382 = vector.load %arg18[%swap3A_380, %swap3A_381] : memref<8x512xi32, #tpu.memory_space<vmem>>, vector<8x128xi32>
    tpu.vector_store %arg18[%swap3A_380, %swap3A_381], %reshape3A_379 {strides = array<i32>} : memref<8x512xi32, #tpu.memory_space<vmem>>, vector<8x128xi32>,
    %get3A_383 = arith.constant 128 : index
    %get3A_384 = arith.constant 0 : index
    %get3A_385 = arith.constant 0 : index
    %get3A_386 = vector.load %arg25[%get3A_383, %get3A_384, %get3A_385] : memref<512x1x8xi32, #tpu.memory_space<vmem>>, vector<128x1x8xi32>
    %transpose3A_387 = tpu.transpose %get3A_386, [2, 1, 0] : vector<128x1x8xi32> -> vector<8x1x128xi32>
    %reshape3A_388 = vector.shape_cast %transpose3A_387 : vector<8x1x128xi32> to vector<8x128xi32>
    %swap3A_389 = arith.constant 0 : index
    %swap3A_390 = arith.constant 128 : index
    %swap3A_391 = vector.load %arg18[%swap3A_389, %swap3A_390] : memref<8x512xi32, #tpu.memory_space<vmem>>, vector<8x128xi32>
    tpu.vector_store %arg18[%swap3A_389, %swap3A_390], %reshape3A_388 {strides = array<i32>} : memref<8x512xi32, #tpu.memory_space<vmem>>, vector<8x128xi32>,
    %get3A_392 = arith.constant 256 : index
    %get3A_393 = arith.constant 0 : index
    %get3A_394 = arith.constant 0 : index
    %get3A_395 = vector.load %arg25[%get3A_392, %get3A_393, %get3A_394] : memref<512x1x8xi32, #tpu.memory_space<vmem>>, vector<128x1x8xi32>
    %transpose3A_396 = tpu.transpose %get3A_395, [2, 1, 0] : vector<128x1x8xi32> -> vector<8x1x128xi32>
    %reshape3A_397 = vector.shape_cast %transpose3A_396 : vector<8x1x128xi32> to vector<8x128xi32>
    %swap3A_398 = arith.constant 0 : index
    %swap3A_399 = arith.constant 256 : index
    %swap3A_400 = vector.load %arg18[%swap3A_398, %swap3A_399] : memref<8x512xi32, #tpu.memory_space<vmem>>, vector<8x128xi32>
    tpu.vector_store %arg18[%swap3A_398, %swap3A_399], %reshape3A_397 {strides = array<i32>} : memref<8x512xi32, #tpu.memory_space<vmem>>, vector<8x128xi32>,
    %get3A_401 = arith.constant 384 : index
    %get3A_402 = arith.constant 0 : index
    %get3A_403 = arith.constant 0 : index
    %get3A_404 = vector.load %arg25[%get3A_401, %get3A_402, %get3A_403] : memref<512x1x8xi32, #tpu.memory_space<vmem>>, vector<128x1x8xi32>
    %transpose3A_405 = tpu.transpose %get3A_404, [2, 1, 0] : vector<128x1x8xi32> -> vector<8x1x128xi32>
    %reshape3A_406 = vector.shape_cast %transpose3A_405 : vector<8x1x128xi32> to vector<8x128xi32>
    %swap3A_407 = arith.constant 0 : index
    %swap3A_408 = arith.constant 384 : index
    %swap3A_409 = vector.load %arg18[%swap3A_407, %swap3A_408] : memref<8x512xi32, #tpu.memory_space<vmem>>, vector<8x128xi32>
    tpu.vector_store %arg18[%swap3A_407, %swap3A_408], %reshape3A_406 {strides = array<i32>} : memref<8x512xi32, #tpu.memory_space<vmem>>, vector<8x128xi32>,
    return
  }
}

</mosaic_0001>

<sc_bundles>
// kernel: gather_offload_async_start
scs
__scs_entry_jumppad:
0x0: {  	(pc) =	sbr.rel $0x88, $3  }
0x1: {  	(tag) =	ssettag $0x0;
	lr =	simm.s32 $0x1  }
0x2: {  	[smem:$0x3F91] =	sst lr;
	_ =	strace $0xD0000000  }
0x3: {  	_ = 	snop  }
0x4: {  	_ = 	snop  }
0x5: {  	_ = 	snop  }
0x6: {  	_ = 	snop  }
0x7: {  	_ = 	snop  }
__scs_overlays_trampoline_lowered:
0x8: {  	[smem:$0x3FA0] =	sst s0  }
0x9: {  	[smem:$0x3FA1] =	sst s1  }
0xa: {  	[smem:$0x3FA2] =	sst s2  }
0xb: {  	[smem:$0x3FA3] =	sst s3  }
0xc: {  	[smem:$0x3FA4] =	sst s4  }
0xd: {  	[smem:$0x3FA5] =	sst s5  }
0xe: {  	[smem:$0x3FA6] =	sst s6  }
0xf: {  	[smem:$0x3FA7] =	sst s7  }
0x10: {  	[smem:$0x3FA8] =	sst s8  }
0x11: {  	[smem:$0x3FA9] =	sst s9;
	s0 =	simm.s32 @!p0 $0x0  }
0x12: {  	s1 =	sld [smem:$0x3F8F];
	s0 =	simm.s32 @p0 $0x1  }
0x13: {  	[smem:$0x3FAA] =	sst s0;
	s0 =	simm.s32 @!p1 $0x0  }
0x14: {  	s2 =	sld [smem:$0x3F8E];
	s0 =	simm.s32 @p1 $0x1  }
0x15: {  	[smem:$0x3FAB] =	sst s0;
	s0 =	simm.s32 @!p2 $0x0  }
0x16: {  	s3 =	sld [smem:$0x3FDB];
	s0 =	simm.s32 @p2 $0x1  }
0x17: {  	s4 =	simm.s32 $0x1BF5;
	[smem:$0x3FAD] =	sst s0  }
0x18: {  	s0 =	sld [smem:$0x3F90];
	_ =	swait.ge [sflag:s4], $0x0  }
0x19: {  	s7 =	sld [smem:$0x3F91]  }
0x1a: {  	s8 =	sadd.s32 $0xFFFFE003, lr  }
0x1b: {  	s9 =	sadd.s32 $0xFFFFFEF7, lr;
	s5 =	simm.s32 $0xFFFFFFFF;
	p2 =	slt.u32 s8, $0xFFFFF086  }
0x1c: {  	p1 =	slt.u32 s9, $0xF7A;
	s5 =	simm.s32 @!p2 $0x0  }
0x1d: {  	s5 =	simm.s32 @p1 $0x1;
	p0 =	seq.s32 s7, s2  }
0x1e: {  	s7 =	smul.u32 @!p0 $0xF7A, s2;
	p2 =	seq.s32 @!p0 s5, $0x0  }
0x1f: {  	s9 =	smul.u32 $0xF7A, s1;
	s8 =	simm.s32 @!p0 $0x1BF5;
	p2 =	por !p2, p0  }
0x20: {  	[sflag:s8] =	ssyncset.s32 @!p0 $0xFFFFF086;
	s6 =	sadd.s32 @!p0 s3, s7;
	s7 =	simm.s32 @!p0 $0x108  }
0x21: {  	s3 =	sadd.s32 s3, s9;
	s6 =	sadd.s32 @!p0 $0x88, s6;
	s7 =	simm.s32 @p2 $0x1082  }
0x22: {  	[simem:s7], [sflag:s8] =	dma.local @!p0 [hbm:s6], $0xF7A  }
0x23: {  	s9 =	sor.u32 $0xD0000000, s2;
	s6 =	simm.s32 $0x108;
	_ =	swait.ge @!p0 [sflag:s8], $0x0  }
0x24: {  	s3 =	sadd.s32 $0x88, s3;
	s6 =	simm.s32 @!p1 $0x1082;
	[sflag:s4] =	ssyncset.s32 $0xFFFFF086  }
0x25: {  	[simem:s6], [sflag:s4] =	dma.local [hbm:s3], $0xF7A  }
0x26: {  	[smem:$0x3F91] =	sst s1;
	(tag) =	ssettag s2;
	_ =	strace s9  }
0x27: {  	s1 =	sld [smem:$0x3FA1]  }
0x28: {  	s2 =	sld [smem:$0x3FA2]  }
0x29: {  	s4 =	sld [smem:$0x3FA4]  }
0x2a: {  	p0 =	seq.s32 s5, $0x0;
	s5 =	sld [smem:$0x3FA5]  }
0x2b: {  	s6 =	sld [smem:$0x3FA6]  }
0x2c: {  	s7 =	sld [smem:$0x3FA7]  }
0x2d: {  	s3 =	simm.s32 $0x108;
	s8 =	sld [smem:$0x3FA8]  }
0x2e: {  	s3 =	simm.s32 @!p0 $0x1082;
	s9 =	sld [smem:$0x3FA9]  }
0x2f: {  	lr =	sadd.s32 s0, s3;
	s0 =	sld [smem:$0x3FA0]  }
0x30: {  	s3 =	sld [smem:$0x3FA3]  }
0x31: {  	[smem:$0x3FAC] =	sst s10  }
0x32: {  	s10 =	sld [smem:$0x3FAA];
	_ =	sdelay $0x3  }
0x33: {  	p0 =	seq.s32 s10, $0x1;
	s10 =	sld [smem:$0x3FAC];
	_ =	sdelay $0x3  }
0x34: {  	[smem:$0x3FAC] =	sst s10  }
0x35: {  	s10 =	sld [smem:$0x3FAB];
	_ =	sdelay $0x3  }
0x36: {  	p1 =	seq.s32 s10, $0x1;
	s10 =	sld [smem:$0x3FAC];
	_ =	sdelay $0x3  }
0x37: {  	[smem:$0x3FAC] =	sst s10  }
0x38: {  	s10 =	sld [smem:$0x3FAD]  }
0x39: {  	_ = 	snop;
	(pc) =	sbr.ind lr, $3  }
0x3a: {  	_ = 	snop  }
0x3b: {  	_ = 	snop  }
0x3c: {  	p2 =	seq.s32 s10, $0x1;
	s10 =	sld [smem:$0x3FAC]  }
0x3d: {  	_ =	shalt  }
0x3e: {  	_ =	shalt  }
0x3f: {  	_ =	shalt  }
0x40: {  	_ =	shalt  }
0x41: {  	_ =	shalt  }
0x42: {  	_ =	shalt  }
0x43: {  	_ =	shalt  }
0x44: {  	_ =	shalt  }
0x45: {  	_ =	shalt  }
0x46: {  	_ =	shalt  }
0x47: {  	_ =	shalt  }
0x48: {  	_ =	shalt  }
0x49: {  	_ =	shalt  }
0x4a: {  	_ =	shalt  }
0x4b: {  	_ =	shalt  }
0x4c: {  	_ =	shalt  }
0x4d: {  	_ =	shalt  }
0x4e: {  	_ =	shalt  }
0x4f: {  	_ =	shalt  }
0x50: {  	_ =	shalt  }
0x51: {  	_ =	shalt  }
0x52: {  	_ =	shalt  }
0x53: {  	_ =	shalt  }
0x54: {  	_ =	shalt  }
0x55: {  	_ =	shalt  }
0x56: {  	_ =	shalt  }
0x57: {  	_ =	shalt  }
0x58: {  	_ =	shalt  }
0x59: {  	_ =	shalt  }
0x5a: {  	_ =	shalt  }
0x5b: {  	_ =	shalt  }
0x5c: {  	_ =	shalt  }
0x5d: {  	_ =	shalt  }
0x5e: {  	_ =	shalt  }
0x5f: {  	_ =	shalt  }
0x60: {  	_ =	shalt  }
0x61: {  	_ =	shalt  }
0x62: {  	_ =	shalt  }
0x63: {  	_ =	shalt  }
0x64: {  	_ =	shalt  }
0x65: {  	_ =	shalt  }
0x66: {  	_ =	shalt  }
0x67: {  	_ =	shalt  }
0x68: {  	_ =	shalt  }
0x69: {  	_ =	shalt  }
0x6a: {  	_ =	shalt  }
0x6b: {  	_ =	shalt  }
0x6c: {  	_ =	shalt  }
0x6d: {  	_ =	shalt  }
0x6e: {  	_ =	shalt  }
0x6f: {  	_ =	shalt  }
0x70: {  	_ =	shalt  }
0x71: {  	_ =	shalt  }
0x72: {  	_ =	shalt  }
0x73: {  	_ =	shalt  }
0x74: {  	_ =	shalt  }
0x75: {  	_ =	shalt  }
0x76: {  	_ =	shalt  }
0x77: {  	_ =	shalt  }
0x78: {  	_ =	shalt  }
0x79: {  	_ =	shalt  }
0x7a: {  	_ =	shalt  }
0x7b: {  	_ =	shalt  }
0x7c: {  	_ =	shalt  }
0x7d: {  	_ =	shalt  }
0x7e: {  	_ =	shalt  }
0x7f: {  	_ =	shalt  }
0x80: {  	_ =	shalt  }
0x81: {  	_ =	shalt  }
0x82: {  	_ =	shalt  }
0x83: {  	_ =	shalt  }
0x84: {  	_ =	shalt  }
0x85: {  	_ =	shalt  }
0x86: {  	_ =	shalt  }
0x87: {  	_ =	shalt  }
.Lfunc_end0:
.L_simem_size_0:
called_computation_lowered:
.L_overlay_start_0:
0x88: {  	s2 =	sld [smem:$0x3FD9]  }
0x89: {  	s3 =	sld [smem:$0x3FFE];
	_ =	sdelay $0x1  }
0x8a: {  	s1 =	srdreg.scid  }
0x8b: {  	s0 =	sand.u32 $0x1, s1  }
0x8c: {  	s14 =	sshll.u32 s0, $0xA;
	s2 =	sadd.s32 s3, s2  }
0x8d: {  	s2 =	sadd.s32 s2, s14  }
0x8e: {  	[smem:$0x3FB8] =	sst s2  }
0x8f: {  	_ = 	snop  }
0x90: {  	s2 =	sld [smem:$0x3FD0];
	_ =	sdelay $0x2  }
0x91: {  	s4 =	simm.s32 $0xA;
	s5 =	simm.s32 $0x10;
	s15 =	sld [smem:$0x3FC9]  }
0x92: {  	[smem:s5], [sflag:s4] =	dma.local [hbm:s2], $0x1  }
0x93: {  	_ =	swait.eq [sflag:s4], $0x1  }
0x94: {  	[sflag:s4] =	ssyncset.done $0x0  }
0x95: {  	[sflag:s4] =	ssyncadd.s32 $0xFFFFFFFF  }
0x96: {  	s16 =	sld [smem:$0x11];
	(tm) =	ssettm $0x1  }
0x97: {  	s17 =	sld [smem:$0x3FFB];
	_ =	sdelay $0x3  }
0x98: {  	_ =	strace s17  }
0x99: {  	s4 =	sld [smem:$0x3FFC];
	_ =	sdelay $0x3  }
0x9a: {  	_ =	strace s4  }
0x9b: {  	s4 =	sld [smem:$0x3FFD];
	_ =	sdelay $0x3  }
0x9c: {  	_ =	strace s4  }
0x9d: {  	_ =	strace $0x8FFFFFFF  }
0x9e: {  	s18 =	sld [smem:$0x3FDB];
	_ =	sdelay $0x1  }
0x9f: {  	s19 =	simm.s32 $_scs_section_size  }
0xa0: {  	s6 =	simm.s32 $_size__tile_overlayer_lowered;
	s7 =	simm.s32 $_tile_overlayer_lowered  }
0xa1: {  	s22 =	simm.s32 $0x1BFF;
	s21 =	sshll.u32 s7, $0x1;
	s4 =	sadd.s32 s19, s18  }
0xa2: {  	s8 =	simm.s32 $0x0;
	s20 =	sshll.u32 s6, $0x1;
	s6 =	sadd.s32 s21, s4  }
0xa3: {  	[timem:s8], [sflag:s22] =	dma.local [hbm:s6], s20  }
0xa4: {  	_ =	swait.ge [sflag:s22], s20  }
0xa5: {  	s5 =	ssub.s32 $0x0, s20;
	[sflag:s22] =	ssyncset.done $0x0  }
0xa6: {  	[sflag:s22] =	ssyncadd.s32 s5;
	_ =	sdelay $0x1  }
0xa7: {  	s23 =	simm.s32 $0x1B8B  }
0xa8: {  	_ =	swait.ge [sflag:s23], $0x1  }
0xa9: {  	[sflag:s23] =	ssyncset.done $0x0  }
0xaa: {  	s25 =	simm.s32 $0x1B8E;
	s24 =	sld [smem:$0x3FFE];
	[sflag:s23] =	ssyncadd.s32 $0xFFFFFFFF  }
0xab: {  	s26 =	simm.s32 $execute0_lowered;
	[smem:$0x3FD2] =	sst s25  }
0xac: {  	s6 =	sshll.u32 s26, $0x1;
	_ =	strace $0x80000046;
	[dreg:$0x1] =	wrdreg $0xFFFFFFFF  }
0xad: {  	s28 =	simm.s32 $_size_execute0_lowered;
	s4 =	sadd.s32 s4, s6;
	[dreg:$0x0] =	wrdreg $0x0  }
0xae: {  	s6 =	sshll.u32 s28, $0x1;
	[dreg:$0x2] =	wrdreg s4  }
0xaf: {  	[dreg:$0x3] =	wrdreg s6  }
0xb0: {  	[dreg:$0x4] =	wrdreg $0xC0  }
0xb1: {  	_ =	task [dreg:s8], $0x5FFFF  }
0xb2: {  	[dreg:$0x1] =	wrdreg $0xFFFFFFFF  }
0xb3: {  	[dreg:$0x0] =	wrdreg $0x60  }
0xb4: {  	[dreg:$0x2] =	wrdreg s15  }
0xb5: {  	[dreg:$0x3] =	wrdreg s16  }
0xb6: {  	[dreg:$0x4] =	wrdreg s24  }
0xb7: {  	[dreg:$0x5] =	wrdreg $0x9  }
0xb8: {  	_ =	task.clear_ibuf [dreg:s8], $0x6FFFF;
	_ =	strace $0x90000046  }
0xb9: {  	s29 =	simm.s32 $0x9;
	_ =	strace $0x80000048  }
0xba: {  	_ =	swait.ge [sflag:s29], $0x1  }
0xbb: {  	[sflag:s29] =	ssyncadd.s32 $0xFFFFFFFF  }
0xbc: {  	_ =	strace $0x90000048  }
0xbd: {  	_ =	sfence  }
0xbe: {  	s30 =	sld [smem:$0x0];
	_ =	sdelay $0x2  }
0xbf: {  	s31 =	sshll.u32 s1, $0xD;
	s1 =	sshrl.u32 s1, $0x2  }
0xc0: {  	s3 =	sand.u32 $0x4000, s31;
	s1 =	sadd.s32 s1, s30  }
0xc1: {  	s0 =	sor.u32 s3, s0;
	s1 =	sshll.u32 s1, $0x11  }
0xc2: {  	s0 =	sor.u32 s1, s0  }
0xc3: {  	s0 =	sadd.s32 $0x8F2B, s0  }
0xc4: {  	[sflag:s0] =	ssyncadd.remote.s32 $0x1  }
0xc5: {  	_ =	sfence.sel $0xFFFF  }
0xc6: {  	[dreg:$0x0] =	wrdreg $0xFFFFFFFF;
	(pc) =	sbr.abs _section_cstart, $3  }
0xc7: {  	[dreg:$0x1] =	wrdreg $0xFFFFFFFF  }
0xc8: {  	_ =	task.clear_ibuf [dreg:s8], $0x2FFFF;
	_ =	strace $0x9FFFFFFF  }
0xc9: {  	(tm) =	ssettm $0x7FFFFFFF  }
tec
execute0_lowered:
.L_overlay_start_1:
0x0: {  	(tag) =	ssettag $0x1  }
0x1: {  	s2 =	rddreg [dreg:$0x0]  }
0x2: {  	s1 =	srdreg.scid;
	s3 =	rddreg [dreg:$0x1]  }
0x3: {  	s0 =	stileid.u32;
	s5 =	rddreg [dreg:$0x2]  }
0x4: {  	s9 =	simm.s32 $0x1;
	s10 =	simm.s32 $0x3;
	s1 =	sshll.u32 s1, $0x6  }
0x5: {  	s13 =	simm.s32 $0x0;
	s4 =	sshll.u32 s0, $0x7;
	s6 =	sand.u32 $0x40, s1  }
0x6: {  	s12 =	simm.s32 $0x0;
	s5 =	sadd.s32 $0x2400, s5;
	s4 =	sor.u32 s4, s6  }
0x7: {  	s1 =	rddreg [dreg:$0x3];
	_ =	strace $0x80000047;
	s8 =	ssub.s32 $0x1000, s4  }
.Ltmp0:
0x8: {  	s6 =	simm.s32 $0x1;
	s7 =	sand.u32 $0x7C0, s8;
	(pc) =	sbr.rel .LBB2_1-.Ltmp0, $4  }
0x9: {  	[sflag:s6] =	ssyncpa.u1 $0x0;
	s11 =	smov.u32 s4;
	p0 =	sne.s32 s7, $0x0  }
0xa: {  	s8 =	sshrl.u32 s8, $0xB;
	s7 =	simm.s32 $0x2;
	s9 =	simm.s32 @!p0 $0x0  }
0xb: {  	[sflag:s7] =	ssyncpa.u1 $0x0;
	p0 =	por $0x0, $0x0;
	s8 =	sadd.s32 s9, s8  }
0xc: {  	vm0 =	vmmov $0xffff;
	[sflag:s10] =	ssyncpa.u1 $0x0;
	s10 =	simm.s32 $0x0;
	s9 =	sadd.s32 $0x1, s8  }
.LBB2_4:
0xd: {  	vm1 =	veq.s32 v1, $0x80000000;
	v2 =	vand.u32 $0x1FF, v2  }
0xe: {  	v63 =	vand.u32 $0x7, v1;
	v2 =	vsel vm1, $0xFFFFFFFF, v2  }
0xf: {  	v1 =	vsel vm1, $0xFFFFFFFF, v63;
	v3 =	vshll.u32 v2, $0x3  }
0x10: {  	v4 =	vand.u32 $0xFFFFF000, v1;
	v1 =	vshll.u32 v1, $0x7;
	v3 =	vand.u32 $0xFFFFFC00, v3  }
0x11: {  	v1 =	vand.u32 $0x380, v1;
	v3 =	vadd.s32 v4, v3  }
0x12: {  	v2 =	vand.u32 $0x7F, v2;
	v1 =	vor.u32 v1, v3  }
0x13: {  	v1 =	vor.u32 v2, v1;
	_ =	sdelay $0x1  }
0x14: {  	(ifvalue) =	ssetifvalue $0x7FFFFFFF;
	s14 =	sadd.s32 $0x10, s14  }
0x15: {  	[tilespmem:s14], [sflag:$0x1] =	stream.indirect_vreg.gather [hbm4b:s2+s10], $0x1, v0, vm0, $0x4038;
	[tilespmem:$0x100] =	vst v63  }
0x16: {  	(ifvalue) =	ssetifvalue $0x7FFFFFFF;
	s14 =	sadd.s32 $0x10, s14  }
0x17: {  	[tilespmem:s14], [sflag:$0x1] =	stream.indirect_vreg.gather [hbm4b:s2+s10], $0x1, v1, vm0, $0x4038;
	[tilespmem:$0x100] =	vst v63  }
0x18: {  	_ =	swait.ge [sflag:s6], $0x40  }
0x19: {  	s30 =	sshrl.u32 s13, $0x3;
	[sflag:s6] =	ssyncset.done $0x0  }
0x1a: {  	s31 =	sand.u32 $0x7, s13;
	s14 =	sadd.s32 s5, s30;
	[sflag:s6] =	ssyncadd.s32 $0xFFFFFFC0  }
0x1b: {  	[hbm4b:s14+s31] =	stream.linear.scatter [tilespmem:s15], [sflag:$0x3], $0x40, $0x38;
	[tilespmem:$0x100] =	vst v63  }
.LBB2_5:
0x1c: {  	s15 =	sadd.s32 $0x800, s11  }
0x1d: {  	p2 =	sgt.s32 s15, $0xFFF  }
0x1e: {  	s15 =	smov.u32 @p2 s4;
	p2 =	sne.s32 s12, s9  }
.Ltmp1:
0x1f: {  	p1 =	slt.u32 s12, $0x2;
	(pc) =	sbr.rel @!p2 .LBB2_6-.Ltmp1, $4  }
0x20: {  	s14 =	simm.s32 @!p1 $0x3  }
0x21: {  	s16 =	sadd.s32 $0x1, s12;
	_ =	swait.ge @!p1 [sflag:s14], $0x40  }
0x22: {  	s13 =	smov.u32 s11;
	p0 =	por !p0, !p0;
	[sflag:s14] =	ssyncset.done @!p1 $0x0  }
0x23: {  	s12 =	smov.u32 s16;
	s11 =	smov.u32 s15;
	[sflag:s14] =	ssyncadd.s32 @!p1 $0xFFFFFFC0  }
.LBB2_1:
0x24: {  	p1 =	sge.u32 s12, s8  }
0x25: {  	s14 =	sxor.u32 @!p1 $0xFFFFFFFF, s12  }
0x26: {  	s31 =	sadd.s32 $0xFFFFFFFF, s12;
	s15 =	sshrl.u32 @!p1 s11, $0x3;
	s14 =	sshll.u32 @!p1 s14, $0x6  }
0x27: {  	s16 =	sand.u32 @!p1 $0x7, s11;
	s15 =	sadd.s32 @!p1 s3, s15;
	s14 =	sand.u32 @!p1 $0x40, s14  }
0x28: {  	[tilespmem:s14], [sflag:$0x2] =	stream.linear.gather @!p1 [hbm4b:s15+s16], $0x40, $0x38;
	[tilespmem:$0x100] =	vst v63  }
0x29: {  	p1 =	sge.u32 s31, s8  }
.Ltmp2:
0x2a: {  	_ = 	snop;
	(pc) =	sbr.rel @p1 .LBB2_5-.Ltmp2, $1  }
0x2b: {  	_ =	sdelay $0x3  }
0x2c: {  	s14 =	simm.s32 $0x1  }
0x2d: {  	_ =	swait.ge [sflag:s7], $0x40;
	s14 =	simm.s32 @!p0 $0x0  }
0x2e: {  	[sflag:s7] =	ssyncset.done $0x0;
	s14 =	sshll.u32 s14, $0x6  }
0x2f: {  	[sflag:s7] =	ssyncadd.s32 $0xFFFFFFC0;
	(ifvalue) =	ssetifvalue $0x7FFFFFFF;
	v0 =	vld.msk [tilespmem:s14+$0x0 ss:$0x1], $0xffff;
	_ =	sdelay $0x4  }
0x30: {  	s15 =	sadd.s32 $0x10, s14;
	v1 =	vshrl.u32 v0, $0x3  }
0x31: {  	v2 =	vld.msk [tilespmem:s15+$0x0 ss:$0x1], $0xffff;
	vm1 =	veq.s32 v0, $0x80000000;
	v1 =	vand.u32 $0x1FF, v1  }
0x32: {  	v0 =	vand.u32 $0x7, v0;
	v1 =	vsel vm1, $0xFFFFFFFF, v1  }
0x33: {  	v0 =	vsel vm1, $0xFFFFFFFF, v0;
	v3 =	vshll.u32 v1, $0x3  }
0x34: {  	v4 =	vand.u32 $0xFFFFF000, v0;
	v0 =	vshll.u32 v0, $0x7;
	v3 =	vand.u32 $0xFFFFFC00, v3  }
0x35: {  	v0 =	vand.u32 $0x380, v0;
	v3 =	vadd.s32 v4, v3  }
0x36: {  	v1 =	vand.u32 $0x7F, v1;
	v0 =	vor.u32 v0, v3;
	v3 =	vshrl.u32 v2, $0x3  }
0x37: {  	s17 =	sadd.s32 $0x10, s15;
	vm1 =	veq.s32 v2, $0x80000000;
	v0 =	vor.u32 v1, v0;
	v3 =	vand.u32 $0x1FF, v3  }
0x38: {  	v2 =	vand.u32 $0x7, v2;
	v1 =	vld.msk [tilespmem:s17+$0x0 ss:$0x1], $0xffff;
	v3 =	vsel vm1, $0xFFFFFFFF, v3  }
0x39: {  	v2 =	vsel vm1, $0xFFFFFFFF, v2;
	v63 =	vshll.u32 v3, $0x3  }
0x3a: {  	s31 =	sshll.u32 s12, $0x6;
	v5 =	vand.u32 $0xFFFFF000, v2;
	v2 =	vshll.u32 v2, $0x7;
	v4 =	vand.u32 $0xFFFFFC00, v63  }
0x3b: {  	s14 =	sor.u32 $0x80, s14;
	s15 =	sand.u32 $0x40, s31;
	(ifvalue) =	ssetifvalue $0x7FFFFFFF;
	v2 =	vand.u32 $0x380, v2;
	v4 =	vadd.s32 v5, v4  }
0x3c: {  	[tilespmem:s14], [sflag:$0x1] =	stream.indirect_vreg.gather [hbm4b:s2+s10], $0x1, v0, vm0, $0x4038;
	v0 =	vand.u32 $0x7F, v3;
	v3 =	vor.u32 v2, v4;
	[tilespmem:$0x100] =	vst v63  }
0x3d: {  	s16 =	simm.s32 $0x20;
	s15 =	sor.u32 $0x80, s15;
	s17 =	sadd.s32 $0x10, s17;
	v2 =	vshrl.u32 v1, $0x3;
	v0 =	vor.u32 v0, v3  }
.LBB2_3:
0x3e: {  	v3 =	vld.msk [tilespmem:s17+$0x0 ss:$0x1], $0xffff;
	s16 =	sadd.s32 $0x10, s16;
	vm1 =	veq.s32 v1, $0x80000000;
	v2 =	vand.u32 $0x1FF, v2  }
0x3f: {  	v1 =	vand.u32 $0x7, v1;
	p1 =	slt.u32 s16, $0x30;
	v2 =	vsel vm1, $0xFFFFFFFF, v2  }
.Ltmp3:
0x40: {  	v1 =	vsel vm1, $0xFFFFFFFF, v1;
	v4 =	vshll.u32 v2, $0x3;
	(pc) =	sbr.rel @p1 .LBB2_3-.Ltmp3, $4  }
0x41: {  	s14 =	sadd.s32 $0x10, s14;
	v5 =	vand.u32 $0xFFFFF000, v1;
	v1 =	vshll.u32 v1, $0x7;
	v4 =	vand.u32 $0xFFFFFC00, v4;
	(ifvalue) =	ssetifvalue $0x7FFFFFFF  }
0x42: {  	v4 =	vadd.s32 v5, v4;
	v5 =	vand.u32 $0x380, v1;
	[tilespmem:s14], [sflag:$0x1] =	stream.indirect_vreg.gather [hbm4b:s2+s10], $0x1, v0, vm0, $0x4038;
	[tilespmem:$0x100] =	vst v63  }
0x43: {  	v0 =	vand.u32 $0x7F, v2;
	v4 =	vor.u32 v5, v4  }
0x44: {  	s17 =	sadd.s32 $0x10, s17;
	v2 =	vshrl.u32 v3, $0x3;
	v1 =	vmov v3;
	v0 =	vor.u32 v0, v4  }
.Ltmp4:
0x45: {  	_ = 	snop;
	(pc) =	sbr.rel .LBB2_4-.Ltmp4, $1  }
0x46: {  	_ =	sdelay $0x3  }
.LBB2_6:
0x47: {  	_ =	sfence.sel $0x180000  }
0x48: {  	s2 =	simm.s32 $0x2;
	[bflag:$0x0] =	sbarrier.arrive $0xFFFF  }
0x49: {  	s30 =	simm.s32 $0x3;
	[sflag:s2] =	ssyncpa.u1 $0x1  }
0x4a: {  	s31 =	simm.s32 $0x1;
	[sflag:s30] =	ssyncpa.u1 $0x1  }
0x4b: {  	[sflag:s31] =	ssyncpa.u1 $0x1  }
0x4c: {  	p0 =	sne.s32 s0, $0x0;
	_ =	strace $0x90000047  }
0x4d: {  	s0 =	sadd.s32 @!p0 $0x100000, s1;
	[bflag:$0x2] =	sbarrier.arrive $0xFFFF  }
0x4e: {  	[sflag:s0] =	ssyncadd.tile.s32 @!p0 $0x1;
	_ =	shalt  }
.Lfunc_end2:
_tile_overlayer_lowered:
.L_overlay_start_2:
0x4f: {  	(tag) =	ssettag $0x2  }
0x50: {  	s0 =	rddreg [dreg:$0x0];
	s2 =	stileid.u32  }
0x51: {  	s1 =	rddreg [dreg:$0x1];
	p0 =	sne.s32 s2, $0x0  }
0x52: {  	s3 =	rddreg [dreg:$0x2];
	[bflag:$0x3] =	sbarrier.arrive $0xFFFF;
	s2 =	simm.s32 @!p0 $0x1C01  }
0x53: {  	[timem:s3], [sflag:s2] =	dma.local @!p0 [hbm:s0], s1  }
0x54: {  	s0 =	simm.s32 @!p0 $0x1  }
0x55: {  	_ =	swait.ge @!p0 [sflag:s0], s1  }
0x56: {  	s1 =	ssub.s32 @!p0 $0x0, s1;
	[sflag:s0] =	ssyncset.done @!p0 $0x0  }
0x57: {  	[sflag:s0] =	ssyncadd.s32 @!p0 s1  }
0x58: {  	[bflag:$0x3] =	sbarrier.arrive $0xFFFF  }
0x59: {  	_ =	shalt  }

// kernel: kernel.4.cloned.1.call-start
scs
__scs_entry_jumppad:
0x0: {  	(pc) =	sbr.rel $0x88, $3  }
0x1: {  	(tag) =	ssettag $0x0;
	lr =	simm.s32 $0x1  }
0x2: {  	[smem:$0x3F91] =	sst lr;
	_ =	strace $0xD0000000  }
0x3: {  	_ = 	snop  }
0x4: {  	_ = 	snop  }
0x5: {  	_ = 	snop  }
0x6: {  	_ = 	snop  }
0x7: {  	_ = 	snop  }
__scs_overlays_trampoline_lowered:
0x8: {  	[smem:$0x3FA0] =	sst s0  }
0x9: {  	[smem:$0x3FA1] =	sst s1  }
0xa: {  	[smem:$0x3FA2] =	sst s2  }
0xb: {  	[smem:$0x3FA3] =	sst s3  }
0xc: {  	[smem:$0x3FA4] =	sst s4  }
0xd: {  	[smem:$0x3FA5] =	sst s5  }
0xe: {  	[smem:$0x3FA6] =	sst s6  }
0xf: {  	[smem:$0x3FA7] =	sst s7  }
0x10: {  	[smem:$0x3FA8] =	sst s8  }
0x11: {  	[smem:$0x3FA9] =	sst s9;
	s0 =	simm.s32 @!p0 $0x0  }
0x12: {  	s1 =	sld [smem:$0x3F8F];
	s0 =	simm.s32 @p0 $0x1  }
0x13: {  	[smem:$0x3FAA] =	sst s0;
	s0 =	simm.s32 @!p1 $0x0  }
0x14: {  	s2 =	sld [smem:$0x3F8E];
	s0 =	simm.s32 @p1 $0x1  }
0x15: {  	[smem:$0x3FAB] =	sst s0;
	s0 =	simm.s32 @!p2 $0x0  }
0x16: {  	s3 =	sld [smem:$0x3FDB];
	s0 =	simm.s32 @p2 $0x1  }
0x17: {  	s4 =	simm.s32 $0x1BF5;
	[smem:$0x3FAD] =	sst s0  }
0x18: {  	s0 =	sld [smem:$0x3F90];
	_ =	swait.ge [sflag:s4], $0x0  }
0x19: {  	s7 =	sld [smem:$0x3F91]  }
0x1a: {  	s8 =	sadd.s32 $0xFFFFE003, lr  }
0x1b: {  	s9 =	sadd.s32 $0xFFFFFEF7, lr;
	s5 =	simm.s32 $0xFFFFFFFF;
	p2 =	slt.u32 s8, $0xFFFFF086  }
0x1c: {  	p1 =	slt.u32 s9, $0xF7A;
	s5 =	simm.s32 @!p2 $0x0  }
0x1d: {  	s5 =	simm.s32 @p1 $0x1;
	p0 =	seq.s32 s7, s2  }
0x1e: {  	s7 =	smul.u32 @!p0 $0xF7A, s2;
	p2 =	seq.s32 @!p0 s5, $0x0  }
0x1f: {  	s9 =	smul.u32 $0xF7A, s1;
	s8 =	simm.s32 @!p0 $0x1BF5;
	p2 =	por !p2, p0  }
0x20: {  	[sflag:s8] =	ssyncset.s32 @!p0 $0xFFFFF086;
	s6 =	sadd.s32 @!p0 s3, s7;
	s7 =	simm.s32 @!p0 $0x108  }
0x21: {  	s3 =	sadd.s32 s3, s9;
	s6 =	sadd.s32 @!p0 $0x88, s6;
	s7 =	simm.s32 @p2 $0x1082  }
0x22: {  	[simem:s7], [sflag:s8] =	dma.local @!p0 [hbm:s6], $0xF7A  }
0x23: {  	s9 =	sor.u32 $0xD0000000, s2;
	s6 =	simm.s32 $0x108;
	_ =	swait.ge @!p0 [sflag:s8], $0x0  }
0x24: {  	s3 =	sadd.s32 $0x88, s3;
	s6 =	simm.s32 @!p1 $0x1082;
	[sflag:s4] =	ssyncset.s32 $0xFFFFF086  }
0x25: {  	[simem:s6], [sflag:s4] =	dma.local [hbm:s3], $0xF7A  }
0x26: {  	[smem:$0x3F91] =	sst s1;
	(tag) =	ssettag s2;
	_ =	strace s9  }
0x27: {  	s1 =	sld [smem:$0x3FA1]  }
0x28: {  	s2 =	sld [smem:$0x3FA2]  }
0x29: {  	s4 =	sld [smem:$0x3FA4]  }
0x2a: {  	p0 =	seq.s32 s5, $0x0;
	s5 =	sld [smem:$0x3FA5]  }
0x2b: {  	s6 =	sld [smem:$0x3FA6]  }
0x2c: {  	s7 =	sld [smem:$0x3FA7]  }
0x2d: {  	s3 =	simm.s32 $0x108;
	s8 =	sld [smem:$0x3FA8]  }
0x2e: {  	s3 =	simm.s32 @!p0 $0x1082;
	s9 =	sld [smem:$0x3FA9]  }
0x2f: {  	lr =	sadd.s32 s0, s3;
	s0 =	sld [smem:$0x3FA0]  }
0x30: {  	s3 =	sld [smem:$0x3FA3]  }
0x31: {  	[smem:$0x3FAC] =	sst s10  }
0x32: {  	s10 =	sld [smem:$0x3FAA];
	_ =	sdelay $0x3  }
0x33: {  	p0 =	seq.s32 s10, $0x1;
	s10 =	sld [smem:$0x3FAC];
	_ =	sdelay $0x3  }
0x34: {  	[smem:$0x3FAC] =	sst s10  }
0x35: {  	s10 =	sld [smem:$0x3FAB];
	_ =	sdelay $0x3  }
0x36: {  	p1 =	seq.s32 s10, $0x1;
	s10 =	sld [smem:$0x3FAC];
	_ =	sdelay $0x3  }
0x37: {  	[smem:$0x3FAC] =	sst s10  }
0x38: {  	s10 =	sld [smem:$0x3FAD]  }
0x39: {  	_ = 	snop;
	(pc) =	sbr.ind lr, $3  }
0x3a: {  	_ = 	snop  }
0x3b: {  	_ = 	snop  }
0x3c: {  	p2 =	seq.s32 s10, $0x1;
	s10 =	sld [smem:$0x3FAC]  }
0x3d: {  	_ =	shalt  }
0x3e: {  	_ =	shalt  }
0x3f: {  	_ =	shalt  }
0x40: {  	_ =	shalt  }
0x41: {  	_ =	shalt  }
0x42: {  	_ =	shalt  }
0x43: {  	_ =	shalt  }
0x44: {  	_ =	shalt  }
0x45: {  	_ =	shalt  }
0x46: {  	_ =	shalt  }
0x47: {  	_ =	shalt  }
0x48: {  	_ =	shalt  }
0x49: {  	_ =	shalt  }
0x4a: {  	_ =	shalt  }
0x4b: {  	_ =	shalt  }
0x4c: {  	_ =	shalt  }
0x4d: {  	_ =	shalt  }
0x4e: {  	_ =	shalt  }
0x4f: {  	_ =	shalt  }
0x50: {  	_ =	shalt  }
0x51: {  	_ =	shalt  }
0x52: {  	_ =	shalt  }
0x53: {  	_ =	shalt  }
0x54: {  	_ =	shalt  }
0x55: {  	_ =	shalt  }
0x56: {  	_ =	shalt  }
0x57: {  	_ =	shalt  }
0x58: {  	_ =	shalt  }
0x59: {  	_ =	shalt  }
0x5a: {  	_ =	shalt  }
0x5b: {  	_ =	shalt  }
0x5c: {  	_ =	shalt  }
0x5d: {  	_ =	shalt  }
0x5e: {  	_ =	shalt  }
0x5f: {  	_ =	shalt  }
0x60: {  	_ =	shalt  }
0x61: {  	_ =	shalt  }
0x62: {  	_ =	shalt  }
0x63: {  	_ =	shalt  }
0x64: {  	_ =	shalt  }
0x65: {  	_ =	shalt  }
0x66: {  	_ =	shalt  }
0x67: {  	_ =	shalt  }
0x68: {  	_ =	shalt  }
0x69: {  	_ =	shalt  }
0x6a: {  	_ =	shalt  }
0x6b: {  	_ =	shalt  }
0x6c: {  	_ =	shalt  }
0x6d: {  	_ =	shalt  }
0x6e: {  	_ =	shalt  }
0x6f: {  	_ =	shalt  }
0x70: {  	_ =	shalt  }
0x71: {  	_ =	shalt  }
0x72: {  	_ =	shalt  }
0x73: {  	_ =	shalt  }
0x74: {  	_ =	shalt  }
0x75: {  	_ =	shalt  }
0x76: {  	_ =	shalt  }
0x77: {  	_ =	shalt  }
0x78: {  	_ =	shalt  }
0x79: {  	_ =	shalt  }
0x7a: {  	_ =	shalt  }
0x7b: {  	_ =	shalt  }
0x7c: {  	_ =	shalt  }
0x7d: {  	_ =	shalt  }
0x7e: {  	_ =	shalt  }
0x7f: {  	_ =	shalt  }
0x80: {  	_ =	shalt  }
0x81: {  	_ =	shalt  }
0x82: {  	_ =	shalt  }
0x83: {  	_ =	shalt  }
0x84: {  	_ =	shalt  }
0x85: {  	_ =	shalt  }
0x86: {  	_ =	shalt  }
0x87: {  	_ =	shalt  }
.Lfunc_end0:
.L_simem_size_0:
called_computation.1_lowered:
.L_overlay_start_0:
0x88: {  	s2 =	sld [smem:$0x3FD9]  }
0x89: {  	s3 =	sld [smem:$0x3FFE];
	_ =	sdelay $0x1  }
0x8a: {  	s1 =	srdreg.scid  }
0x8b: {  	s0 =	sand.u32 $0x1, s1  }
0x8c: {  	s17 =	sshll.u32 s0, $0xA;
	s2 =	sadd.s32 s3, s2  }
0x8d: {  	s2 =	sadd.s32 s2, s17  }
0x8e: {  	[smem:$0x3FB8] =	sst s2  }
0x8f: {  	_ = 	snop  }
0x90: {  	s2 =	sld [smem:$0x3FC7];
	(tm) =	ssettm $0x1  }
0x91: {  	s18 =	sld [smem:$0x3FFB];
	_ =	sdelay $0x3  }
0x92: {  	_ =	strace s18  }
0x93: {  	s3 =	sld [smem:$0x3FFC];
	_ =	sdelay $0x3  }
0x94: {  	_ =	strace s3  }
0x95: {  	s3 =	sld [smem:$0x3FFD];
	_ =	sdelay $0x3  }
0x96: {  	_ =	strace s3  }
0x97: {  	_ =	strace $0x8FFFFFFF  }
0x98: {  	s19 =	sld [smem:$0x3FDB];
	_ =	sdelay $0x1  }
0x99: {  	s4 =	simm.s32 $_scs_section_size  }
0x9a: {  	s5 =	simm.s32 $_size__tile_overlayer_lowered;
	s6 =	simm.s32 $_tile_overlayer_lowered  }
0x9b: {  	s22 =	simm.s32 $0x1BFF;
	s21 =	sshll.u32 s6, $0x1;
	s3 =	sadd.s32 s4, s19  }
0x9c: {  	s7 =	simm.s32 $0x0;
	s20 =	sshll.u32 s5, $0x1;
	s5 =	sadd.s32 s21, s3  }
0x9d: {  	[timem:s7], [sflag:s22] =	dma.local [hbm:s5], s20  }
0x9e: {  	_ =	swait.ge [sflag:s22], s20  }
0x9f: {  	s4 =	ssub.s32 $0x0, s20;
	[sflag:s22] =	ssyncset.done $0x0  }
0xa0: {  	[sflag:s22] =	ssyncadd.s32 s4;
	_ =	sdelay $0x1  }
0xa1: {  	s23 =	simm.s32 $0x1B8B  }
0xa2: {  	_ =	swait.ge [sflag:s23], $0x1  }
0xa3: {  	[sflag:s23] =	ssyncset.done $0x0  }
0xa4: {  	s25 =	simm.s32 $0x1B8E;
	s24 =	sld [smem:$0x3FFE];
	[sflag:s23] =	ssyncadd.s32 $0xFFFFFFFF  }
0xa5: {  	s26 =	simm.s32 $execute0_lowered;
	[smem:$0x3FD2] =	sst s25  }
0xa6: {  	s5 =	sshll.u32 s26, $0x1;
	_ =	strace $0x80000049;
	[dreg:$0x1] =	wrdreg $0xFFFFFFFF  }
0xa7: {  	s28 =	simm.s32 $_size_execute0_lowered;
	s3 =	sadd.s32 s3, s5;
	[dreg:$0x0] =	wrdreg $0x0  }
0xa8: {  	s5 =	sshll.u32 s28, $0x1;
	[dreg:$0x2] =	wrdreg s3  }
0xa9: {  	[dreg:$0x3] =	wrdreg s5  }
0xaa: {  	[dreg:$0x4] =	wrdreg $0xC0  }
0xab: {  	_ =	task [dreg:s7], $0x5FFFF  }
0xac: {  	[dreg:$0x1] =	wrdreg $0xFFFFFFFF  }
0xad: {  	[dreg:$0x0] =	wrdreg $0x60  }
0xae: {  	[dreg:$0x2] =	wrdreg s2  }
0xaf: {  	[dreg:$0x3] =	wrdreg s24  }
0xb0: {  	[dreg:$0x4] =	wrdreg $0x9  }
0xb1: {  	_ =	task.clear_ibuf [dreg:s7], $0x5FFFF;
	_ =	strace $0x90000049  }
0xb2: {  	s29 =	simm.s32 $0x9;
	_ =	strace $0x8000004B  }
0xb3: {  	_ =	swait.ge [sflag:s29], $0x1  }
0xb4: {  	[sflag:s29] =	ssyncadd.s32 $0xFFFFFFFF  }
0xb5: {  	_ =	strace $0x9000004B  }
0xb6: {  	_ =	sfence  }
0xb7: {  	s30 =	sld [smem:$0x0];
	_ =	sdelay $0x2  }
0xb8: {  	s31 =	sshll.u32 s1, $0xD;
	s1 =	sshrl.u32 s1, $0x2  }
0xb9: {  	s3 =	sand.u32 $0x4000, s31;
	s1 =	sadd.s32 s1, s30  }
0xba: {  	s0 =	sor.u32 s3, s0;
	s1 =	sshll.u32 s1, $0x11  }
0xbb: {  	s0 =	sor.u32 s1, s0  }
0xbc: {  	s0 =	sadd.s32 $0x8F2B, s0  }
0xbd: {  	[sflag:s0] =	ssyncadd.remote.s32 $0x1  }
0xbe: {  	_ =	sfence.sel $0xFFFF  }
0xbf: {  	[dreg:$0x0] =	wrdreg $0xFFFFFFFF;
	(pc) =	sbr.abs _section_cstart, $3  }
0xc0: {  	[dreg:$0x1] =	wrdreg $0xFFFFFFFF  }
0xc1: {  	_ =	task.clear_ibuf [dreg:s7], $0x2FFFF;
	_ =	strace $0x9FFFFFFF  }
0xc2: {  	(tm) =	ssettm $0x7FFFFFFF  }
0xc3: {  	_ =	shalt  }
tec
execute0_lowered:
.L_overlay_start_1:
0x0: {  	(tag) =	ssettag $0x1  }
0x1: {  	s1 =	srdreg.scid;
	s0 =	stileid.u32  }
0x2: {  	s2 =	rddreg [dreg:$0x0];
	s9 =	sand.u32 $0x1, s1;
	s30 =	sshll.u32 s0, $0x1  }
0x3: {  	s10 =	rddreg [dreg:$0x1];
	s11 =	sor.u32 s9, s30  }
0x4: {  	s3 =	simm.s32 $0x0;
	s1 =	rddreg [dreg:$0x2];
	s4 =	sshll.u32 s11, $0x5  }
0x5: {  	[smem:$0x7FF] =	sst s3;
	s4 =	sadd.s32 s4, s10  }
0x6: {  	_ =	strace $0x8000004A;
	s5 =	sadd.s32 $0x2400, s4;
	s4 =	simm.s32 $0x2  }
0x7: {  	[tilespmem:s3], [sflag:$0x2] =	stream.linear.gather [hbm4b:s5+s3], $0x100, $0x38;
	[tilespmem:$0x8100] =	vst v63  }
0x8: {  	_ =	swait.ge [sflag:s4], $0x100  }
0x9: {  	s6 =	simm.s32 $0x80;
	s7 =	simm.s32 $0x100;
	[sflag:s4] =	ssyncset.done $0x0  }
0xa: {  	s8 =	simm.s32 $0x1;
	s12 =	ssub.s32 $0x2, s9;
	[sflag:s4] =	ssyncadd.s32 $0xFFFFFF00  }
0xb: {  	[tilespmem:s7], [sflag:$0x1] =	stream.indirect.gather [hbm4b:s2+s6], $0x80, s3, s6, $0xb8;
	[tilespmem:$0x8100] =	vst v63  }
0xc: {  	s9 =	simm.s32 $0x4100;
	s13 =	sshrl.u32 s12, $0x1;
	_ =	swait.ge [sflag:s8], $0x4000  }
0xd: {  	s11 =	sshll.u32 s11, $0xC;
	s31 =	ssub.s32 s12, s13;
	[sflag:s8] =	ssyncset.done $0x0  }
0xe: {  	s10 =	sadd.s32 s11, s10;
	s11 =	smax.u32 s31, $0x1;
	[sflag:s8] =	ssyncadd.s32 $0xFFFFC000  }
0xf: {  	[tilespmem:s9], [sflag:$0x1] =	stream.indirect.gather [hbm4b:s2+s6], $0x80, s6, s6, $0xb8;
	[tilespmem:$0x8100] =	vst v63  }
0x10: {  	p0 =	sne.s32 s11, $0x1;
	_ =	swait.ge [sflag:s8], $0x4000  }
.Ltmp0:
0x11: {  	[sflag:s8] =	ssyncset.done $0x0;
	(pc) =	sbr.rel @!p0 .LBB2_2-.Ltmp0, $4  }
0x12: {  	s10 =	sadd.s32 $0x2800, s10;
	[sflag:s8] =	ssyncadd.s32 $0xFFFFC000  }
0x13: {  	[hbm4b:s10+s3] =	stream.linear.scatter [tilespmem:s7], [sflag:$0x2], $0x8000, $0x38;
	[tilespmem:$0x8100] =	vst v63  }
0x14: {  	_ =	swait.ge [sflag:s4], $0x8000  }
0x15: {  	s11 =	sadd.s32 $0xFFFFFFFF, s11;
	[sflag:s4] =	ssyncset.done $0x0  }
.LBB2_1:
0x16: {  	p0 =	sne.s32 s11, $0x1;
	s11 =	sadd.s32 $0xFFFFFFFF, s11;
	[sflag:s4] =	ssyncadd.s32 $0xFFFF8000  }
0x17: {  	[tilespmem:s3], [sflag:$0x2] =	stream.linear.gather [hbm4b:s5+s3], $0x100, $0x38;
	[tilespmem:$0x8100] =	vst v63  }
0x18: {  	_ =	swait.ge [sflag:s4], $0x100  }
0x19: {  	[sflag:s4] =	ssyncset.done $0x0  }
0x1a: {  	[sflag:s4] =	ssyncadd.s32 $0xFFFFFF00  }
0x1b: {  	[tilespmem:s7], [sflag:$0x1] =	stream.indirect.gather [hbm4b:s2+s6], $0x80, s3, s6, $0xb8;
	[tilespmem:$0x8100] =	vst v63  }
0x1c: {  	_ =	swait.ge [sflag:s8], $0x4000  }
0x1d: {  	[sflag:s8] =	ssyncset.done $0x0  }
0x1e: {  	[sflag:s8] =	ssyncadd.s32 $0xFFFFC000  }
0x1f: {  	[tilespmem:s9], [sflag:$0x1] =	stream.indirect.gather [hbm4b:s2+s6], $0x80, s6, s6, $0xb8;
	[tilespmem:$0x8100] =	vst v63  }
0x20: {  	_ =	swait.ge [sflag:s8], $0x4000  }
.Ltmp1:
0x21: {  	[sflag:s8] =	ssyncset.done $0x0;
	(pc) =	sbr.rel @p0 .LBB2_1-.Ltmp1, $4  }
0x22: {  	[sflag:s8] =	ssyncadd.s32 $0xFFFFC000  }
0x23: {  	[hbm4b:s10+s3] =	stream.linear.scatter [tilespmem:s7], [sflag:$0x2], $0x8000, $0x38;
	[tilespmem:$0x8100] =	vst v63  }
0x24: {  	_ =	swait.ge [sflag:s4], $0x8000  }
0x25: {  	[sflag:s4] =	ssyncset.done $0x0  }
.LBB2_2:
0x26: {  	[sflag:s4] =	ssyncadd.s32 $0xFFFF8000  }
0x27: {  	_ =	sfence.sel $0x180000  }
0x28: {  	[bflag:$0x0] =	sbarrier.arrive $0xFFFF  }
0x29: {  	p0 =	sne.s32 s0, $0x0;
	_ =	strace $0x9000004A  }
0x2a: {  	s0 =	sadd.s32 @!p0 $0x100000, s1;
	[bflag:$0x2] =	sbarrier.arrive $0xFFFF  }
0x2b: {  	[sflag:s0] =	ssyncadd.tile.s32 @!p0 $0x1;
	_ =	shalt  }
.Lfunc_end2:
_tile_overlayer_lowered:
.L_overlay_start_2:
0x2c: {  	(tag) =	ssettag $0x2  }
0x2d: {  	s0 =	rddreg [dreg:$0x0];
	s2 =	stileid.u32  }
0x2e: {  	s1 =	rddreg [dreg:$0x1];
	p0 =	sne.s32 s2, $0x0  }
0x2f: {  	s3 =	rddreg [dreg:$0x2];
	[bflag:$0x3] =	sbarrier.arrive $0xFFFF;
	s2 =	simm.s32 @!p0 $0x1C02  }
0x30: {  	[timem:s3], [sflag:s2] =	dma.local @!p0 [hbm:s0], s1  }
0x31: {  	s0 =	simm.s32 @!p0 $0x2  }
0x32: {  	_ =	swait.ge @!p0 [sflag:s0], s1  }
0x33: {  	s1 =	ssub.s32 @!p0 $0x0, s1;
	[sflag:s0] =	ssyncset.done @!p0 $0x0  }
0x34: {  	[sflag:s0] =	ssyncadd.s32 @!p0 s1  }
0x35: {  	[bflag:$0x3] =	sbarrier.arrive $0xFFFF  }
0x36: {  	_ =	shalt  }

</sc_bundles>
